<compile_context>
chip_gen: v7x
topology: tpu7x:2x2x1
jax: 0.10.2.dev20260603
libtpu: 0.0.44.dev20260713+nightly
codegen_flags: <defaults>
</compile_context>

<pallas_src>
import functools
import math

import jax
import jax.numpy as jnp
from jax import lax
from jax.experimental import pallas as pl
from jax.experimental.pallas import tpu as pltpu
from jax.experimental.pallas import tpu_sc as plsc

N = 2048
DIM = 768
NHEADS = 12
HD = DIM // NHEADS
KNN = 16
PDIM = 16
FF = 4 * DIM
BLK = 256
GRID = N // BLK

NW = 32
RPW = N // NW


def _ln(x, scale, bias):
    m = jnp.mean(x, axis=-1, keepdims=True)
    xc = x - m
    v = jnp.mean(xc * xc, axis=-1, keepdims=True)
    return xc / jnp.sqrt(v + 1e-6) * scale + bias


def _pre_body(x_ref, w_ref, b_ref, s_ref, t_ref, pb_ref, pf_ref, c_ref,
              qkv_ref, arg_ref):
    xn = _ln(x_ref[...], s_ref[...], t_ref[...])
    qkv_ref[...] = (
        jnp.dot(xn, w_ref[...], preferred_element_type=jnp.float32) + b_ref[...]
    )

    c = c_ref[0, 0]
    pb = pb_ref[...]
    pf = pf_ref[...]
    nb = jnp.sum(pb * pb, axis=1, keepdims=True)
    ones_p = jnp.ones((1, PDIM), jnp.float32)
    nf = lax.dot_general(
        ones_p, pf * pf, (((1,), (1,)), ((), ())),
        precision=lax.Precision.HIGHEST,
        preferred_element_type=jnp.float32)
    g = lax.dot_general(
        pb, pf, (((1,), (1,)), ((), ())),
        precision=lax.Precision.HIGHEST,
        preferred_element_type=jnp.float32)
    diff = jnp.maximum(nb + nf - 2.0 * g, 0.0)
    den = jnp.maximum((1.0 - c * nb) * (1.0 - c * nf), 1e-8)
    arg_ref[...] = 1.0 + 2.0 * c * diff / den


def _sc_topk(arg_hbm, idx_hbm, val_hbm, rowa_v, rowb_v, i16_v, v16_v,
             sema, semb, *, first_row, rows_per_worker):
    wid = lax.axis_index("s") * 2 + lax.axis_index("c")
    base = first_row + wid * rows_per_worker
    lane = lax.iota(jnp.int32, 16)

    def _halfclean(a_k, a_i, b_k, b_i):
        m = b_k < a_k
        return jnp.where(m, b_k, a_k), jnp.where(m, b_i, a_i)

    def _process(row_v, row):
        def chunk_body(c8, carry):
            best, bidx = carry
            ks, vs = [], []
            for u in range(8):
                cc = c8 * 8 + u
                d = row_v[pl.ds(cc * 16, 16)]
                ci = lane + cc * 16
                sk, si = plsc.sort_key_val(d, ci, descending=(u % 2 == 1))
                ks.append(sk)
                vs.append(si)
            for _ in range(2):
                nk, nv = [], []
                for p in range(len(ks) // 2):
                    lk, li = _halfclean(ks[2 * p], vs[2 * p],
                                        ks[2 * p + 1], vs[2 * p + 1])
                    sk, si = plsc.sort_key_val(lk, li,
                                               descending=(p % 2 == 1))
                    nk.append(sk)
                    nv.append(si)
                ks, vs = nk, nv
            lk, li = _halfclean(ks[0], vs[0], ks[1], vs[1])
            xk, xi = plsc.sort_key_val(lk, li, descending=True)
            nb, ni = _halfclean(best, bidx, xk, xi)
            rk, ri = plsc.sort_key_val(nb, ni)
            return rk, ri

        best0 = jnp.full((16,), jnp.inf, jnp.float32)
        bidx0 = jnp.zeros((16,), jnp.int32)
        best, bidx = lax.fori_loop(0, N // 128, chunk_body, (best0, bidx0))
        i16_v[...] = bidx
        v16_v[...] = best
        out_off = (row - first_row) * KNN
        pltpu.sync_copy(i16_v, idx_hbm.at[pl.ds(out_off, KNN)])
        pltpu.sync_copy(v16_v, val_hbm.at[pl.ds(out_off, KNN)])

    pltpu.make_async_copy(arg_hbm.at[base], rowa_v, sema).start()

    def pair_body(r2, carry0):
        r = base + r2 * 2
        pltpu.make_async_copy(arg_hbm.at[r + 1], rowb_v, semb).start()
        pltpu.make_async_copy(arg_hbm.at[r], rowa_v, sema).wait()
        _process(rowa_v, r)
        nxt = jnp.minimum(r + 2, N - 1)
        pltpu.make_async_copy(arg_hbm.at[nxt], rowa_v, sema).start()
        pltpu.make_async_copy(arg_hbm.at[r + 1], rowb_v, semb).wait()
        _process(rowb_v, r + 1)
        return carry0

    lax.fori_loop(0, rows_per_worker // 2, pair_body, 0)
    pltpu.make_async_copy(arg_hbm.at[base], rowa_v, sema).wait()


def _attn_mlp_body(idx_ref, val_ref, q_ref, k_ref, v_ref, x_ref, wo_ref,
                   bo_ref, w1_ref, b1_ref, w2_ref, b2_ref, s2_ref, t2_ref,
                   c_ref, lt_ref, as_ref, o_ref):
    c = c_ref[0, 0]
    inv_tau = 1.0 / jnp.maximum(jnp.exp(lt_ref[0, 0]), 1e-8)
    a_scale = as_ref[0, 0]
    inv_sqrt_c = 1.0 / jnp.sqrt(c)

    s = jnp.maximum(val_ref[...], 1.0 + 1e-7)
    d = jnp.log(s + jnp.sqrt((s - 1.0) * (s + 1.0))) * inv_sqrt_c
    gvals = -d * inv_tau
    idx = idx_ref[...]
    iota = lax.broadcasted_iota(jnp.int32, (BLK, N), 1)
    geo = jnp.zeros((BLK, N), jnp.float32)
    for t in range(KNN):
        geo = jnp.where(iota == idx[:, t:t + 1], gvals[:, t:t + 1], geo)
    mask = geo < 0.0

    inv_sqrt_hd = 1.0 / math.sqrt(HD)
    ones8 = jnp.ones((N, 8), jnp.float32)
    acc = x_ref[...] + bo_ref[...]
    for h in range(NHEADS):
        qh = q_ref[:, h * HD:(h + 1) * HD]
        kh = k_ref[:, h * HD:(h + 1) * HD]
        vh = v_ref[:, h * HD:(h + 1) * HD]
        sco = lax.dot_general(
            qh, kh, (((1,), (1,)), ((), ())),
            preferred_element_type=jnp.float32) * inv_sqrt_hd
        sc = a_scale * jnp.tanh(sco + geo)
        w = jnp.where(mask, jnp.exp(sc), 0.0)
        denom = jnp.dot(w, ones8, preferred_element_type=jnp.float32)
        oh = jnp.dot(w, vh, preferred_element_type=jnp.float32)
        oh = oh * (1.0 / denom[:, 0:1])
        acc = acc + jnp.dot(
            oh, wo_ref[h * HD:(h + 1) * HD, :],
            preferred_element_type=jnp.float32)

    hh = _ln(acc, s2_ref[...], t2_ref[...])
    a = jax.nn.gelu(
        jnp.dot(hh, w1_ref[...], preferred_element_type=jnp.float32)
        + b1_ref[...])
    o_ref[...] = acc + (
        jnp.dot(a, w2_ref[...], preferred_element_type=jnp.float32)
        + b2_ref[...])


def kernel(x, positions, c, Wq, bq, Wk, bk, Wv, bv, Wo, bo, W1, b1, W2, b2,
           ln1_scale, ln1_bias, ln2_scale, ln2_bias, log_tau, attn_scale):
    x0 = x[0]
    pos = positions[0]
    Wqkv = jnp.concatenate([Wq, Wk, Wv], axis=1)
    bqkv = jnp.concatenate([bq, bk, bv])[None, :]
    c2 = jnp.reshape(c, (1, 1)).astype(jnp.float32)
    lt2 = jnp.reshape(log_tau, (1, 1)).astype(jnp.float32)
    as2 = jnp.reshape(attn_scale, (1, 1)).astype(jnp.float32)

    qkv, arg = pl.pallas_call(
        _pre_body,
        grid=(GRID,),
        in_specs=[
            pl.BlockSpec((BLK, DIM), lambda i: (i, 0)),
            pl.BlockSpec((DIM, 3 * DIM), lambda i: (0, 0)),
            pl.BlockSpec((1, 3 * DIM), lambda i: (0, 0)),
            pl.BlockSpec((1, DIM), lambda i: (0, 0)),
            pl.BlockSpec((1, DIM), lambda i: (0, 0)),
            pl.BlockSpec((BLK, PDIM), lambda i: (i, 0)),
            pl.BlockSpec((N, PDIM), lambda i: (0, 0)),
            pl.BlockSpec((1, 1), lambda i: (0, 0)),
        ],
        out_specs=[
            pl.BlockSpec((BLK, 3 * DIM), lambda i: (i, 0)),
            pl.BlockSpec((BLK, N), lambda i: (i, 0)),
        ],
        out_shape=[
            jax.ShapeDtypeStruct((N, 3 * DIM), jnp.float32),
            jax.ShapeDtypeStruct((N, N), jnp.float32),
        ],
    )(x0, Wqkv, bqkv, ln1_scale[None, :], ln1_bias[None, :], pos, pos, c2)

    sc_topk = functools.partial(
        pl.kernel,
        mesh=plsc.VectorSubcoreMesh(core_axis_name="c", subcore_axis_name="s"),
        compiler_params=pltpu.CompilerParams(needs_layout_passes=False),
        out_type=[
            jax.ShapeDtypeStruct((N * KNN,), jnp.int32),
            jax.ShapeDtypeStruct((N * KNN,), jnp.float32),
        ],
        scratch_types=[
            pltpu.VMEM((N,), jnp.float32),
            pltpu.VMEM((N,), jnp.float32),
            pltpu.VMEM((KNN,), jnp.int32),
            pltpu.VMEM((KNN,), jnp.float32),
            pltpu.SemaphoreType.DMA,
            pltpu.SemaphoreType.DMA,
        ],
    )(functools.partial(_sc_topk, first_row=0, rows_per_worker=RPW))
    idx1d, val1d = sc_topk(arg)
    idx = idx1d.reshape(N, KNN)
    val = val1d.reshape(N, KNN)

    y = pl.pallas_call(
        _attn_mlp_body,
        grid=(GRID,),
        in_specs=[
            pl.BlockSpec((BLK, KNN), lambda i: (i, 0)),
            pl.BlockSpec((BLK, KNN), lambda i: (i, 0)),
            pl.BlockSpec((BLK, DIM), lambda i: (i, 0)),
            pl.BlockSpec((N, DIM), lambda i: (0, 1)),
            pl.BlockSpec((N, DIM), lambda i: (0, 2)),
            pl.BlockSpec((BLK, DIM), lambda i: (i, 0)),
            pl.BlockSpec((DIM, DIM), lambda i: (0, 0)),
            pl.BlockSpec((1, DIM), lambda i: (0, 0)),
            pl.BlockSpec((DIM, FF), lambda i: (0, 0)),
            pl.BlockSpec((1, FF), lambda i: (0, 0)),
            pl.BlockSpec((FF, DIM), lambda i: (0, 0)),
            pl.BlockSpec((1, DIM), lambda i: (0, 0)),
            pl.BlockSpec((1, DIM), lambda i: (0, 0)),
            pl.BlockSpec((1, DIM), lambda i: (0, 0)),
            pl.BlockSpec((1, 1), lambda i: (0, 0)),
            pl.BlockSpec((1, 1), lambda i: (0, 0)),
            pl.BlockSpec((1, 1), lambda i: (0, 0)),
        ],
        out_specs=pl.BlockSpec((BLK, DIM), lambda i: (i, 0)),
        out_shape=jax.ShapeDtypeStruct((N, DIM), jnp.float32),
    )(idx, val, qkv, qkv, qkv, x0, Wo, bo[None, :], W1, b1[None, :],
      W2, b2[None, :], ln2_scale[None, :], ln2_bias[None, :], c2, lt2, as2)

    return y[None]

# --- scband reference (transcript-rebuilt; emitter-appended) ---
"""Pipeline reference for scband-k-nnhyperbolic-attention-layer-66374424592980 (READ-ONLY COPY).

The authoritative reference and input builder live on the scoring server;
editing this copy changes nothing except your own understanding.
"""

import jax, jax.numpy as jnp
import numpy as np
import math

B, N, DIM, NHEADS, K, PDIM = 1, 2048, 768, 12, 16, 16


def _layernorm(x, scale, bias, eps=1e-6):
    mean = jnp.mean(x, axis=-1, keepdims=True)
    var = jnp.var(x, axis=-1, keepdims=True)
    return (x - mean) / jnp.sqrt(var + eps) * scale + bias


def _poincare_dist(x, y, c):
    sqrt_c = jnp.sqrt(c)
    diff_norm_sq = jnp.sum((x - y) ** 2, axis=-1)
    x_norm_sq = jnp.sum(x ** 2, axis=-1)
    y_norm_sq = jnp.sum(y ** 2, axis=-1)
    den = (1 - c * x_norm_sq) * (1 - c * y_norm_sq)
    arg = 1 + 2 * c * diff_norm_sq / den.clip(1e-08)
    safe_arg = jnp.maximum(arg, 1.0 + 1e-07)
    return 1.0 / sqrt_c * jnp.arccosh(safe_arg)


def setup_inputs(seed: int = 0) -> dict:
    key = jax.random.key(seed)
    ks = jax.random.split(key, 12)
    x = jax.random.normal(ks[0], (B, N, DIM), dtype=jnp.float32)
    positions = 0.1 * jax.random.normal(ks[1], (B, N, PDIM), dtype=jnp.float32)
    c = jnp.float32(1.0)
    s = 1.0 / math.sqrt(DIM)
    Wq = jax.random.normal(ks[2], (DIM, DIM), dtype=jnp.float32) * s
    Wk = jax.random.normal(ks[3], (DIM, DIM), dtype=jnp.float32) * s
    Wv = jax.random.normal(ks[4], (DIM, DIM), dtype=jnp.float32) * s
    Wo = jax.random.normal(ks[5], (DIM, DIM), dtype=jnp.float32) * s
    W1 = jax.random.normal(ks[6], (DIM, 4 * DIM), dtype=jnp.float32) * s
    W2 = jax.random.normal(ks[7], (4 * DIM, DIM), dtype=jnp.float32) * (1.0 / math.sqrt(4 * DIM))
    return {
        'x': x, 'positions': positions, 'c': c,
        'Wq': Wq, 'bq': jnp.zeros((DIM,), jnp.float32),
        'Wk': Wk, 'bk': jnp.zeros((DIM,), jnp.float32),
        'Wv': Wv, 'bv': jnp.zeros((DIM,), jnp.float32),
        'Wo': Wo, 'bo': jnp.zeros((DIM,), jnp.float32),
        'W1': W1, 'b1': jnp.zeros((4 * DIM,), jnp.float32),
        'W2': W2, 'b2': jnp.zeros((DIM,), jnp.float32),
        'ln1_scale': jnp.ones((DIM,), jnp.float32), 'ln1_bias': jnp.zeros((DIM,), jnp.float32),
        'ln2_scale': jnp.ones((DIM,), jnp.float32), 'ln2_bias': jnp.zeros((DIM,), jnp.float32),
        'log_tau': jnp.zeros((1,), jnp.float32), 'attn_scale': jnp.ones((1,), jnp.float32),
    }


def reference(x, positions, c, Wq, bq, Wk, bk, Wv, bv, Wo, bo, W1, b1, W2, b2, ln1_scale, ln1_bias, ln2_scale, ln2_bias, log_tau, attn_scale):
    b, n, _ = x.shape
    h_dim = DIM // NHEADS
    x_res = x
    x_norm = _layernorm(x, ln1_scale, ln1_bias)
    q = (x_norm @ Wq + bq).reshape(b, n, NHEADS, h_dim).transpose(0, 2, 1, 3)
    k = (x_norm @ Wk + bk).reshape(b, n, NHEADS, h_dim).transpose(0, 2, 1, 3)
    v = (x_norm @ Wv + bv).reshape(b, n, NHEADS, h_dim).transpose(0, 2, 1, 3)
    dist_matrix = _poincare_dist(positions[:, None, :, :], positions[:, :, None, :], c)
    _, top_k_indices = jax.lax.top_k(-dist_matrix, K)
    indices_for_gather = jnp.repeat(jnp.repeat(top_k_indices[:, None, :, :, None], NHEADS, axis=1), h_dim, axis=4)
    k_gathered = jnp.take_along_axis(jnp.repeat(k[:, :, :, None, :], K, axis=3), indices_for_gather, axis=2)
    v_gathered = jnp.take_along_axis(jnp.repeat(v[:, :, :, None, :], K, axis=3), indices_for_gather, axis=2)
    feature_scores = jnp.einsum('bhid,bhikd->bhik', q, k_gathered) / math.sqrt(h_dim)
    gathered_dists = jnp.take_along_axis(dist_matrix, top_k_indices, axis=-1)
    geometric_scores = -gathered_dists[:, None, :, :] / jnp.exp(log_tau).clip(1e-08)
    attn_scores = attn_scale * jnp.tanh(feature_scores + geometric_scores)
    attn_weights = jax.nn.softmax(attn_scores, axis=-1)
    attn_output = jnp.einsum('bhik,bhikd->bhid', attn_weights, v_gathered).transpose(0, 2, 1, 3).reshape(b, n, DIM)
    x_out = x_res + (attn_output @ Wo + bo)
    h = _layernorm(x_out, ln2_scale, ln2_bias)
    h = jax.nn.gelu(h @ W1 + b1) @ W2 + b2
    return x_out + h

if __name__ == "__main__":
    import jax
    _d = setup_inputs()
    print(jax.jit(kernel)(*tuple(_d.values())))

</pallas_src>

<mosaic_0001>
#map = affine_map<(d0, d1) -> (0, 0)>
#map1 = affine_map<(d0, d1) -> (0)>
module attributes {stable_mosaic.version = 14 : i64} {
  func.func @_sc_topk(%arg0: i32, %arg1: i32, %arg2: memref<2048x2048xf32, #tpu.memory_space<hbm>>, %arg3: memref<32768xi32, #tpu.memory_space<hbm>>, %arg4: memref<32768xf32, #tpu.memory_space<hbm>>, %arg5: memref<2048xf32, #tpu.memory_space<vmem>>, %arg6: memref<2048xf32, #tpu.memory_space<vmem>>, %arg7: memref<16xi32, #tpu.memory_space<vmem>>, %arg8: memref<16xf32, #tpu.memory_space<vmem>>, %arg9: memref<!tpu.dma_semaphore, #tpu.memory_space<semaphore_mem>>, %arg10: memref<!tpu.dma_semaphore, #tpu.memory_space<semaphore_mem>>) attributes {dimension_semantics = [#tpu.dimension_semantics<core_parallel>, #tpu.dimension_semantics<subcore_parallel>], iteration_bounds = array<i64: 2, 16>, scalar_prefetch = 0 : i64, scratch_operands = 6 : i64, tpu.core_type = #tpu.core_type<sc_vector_subcore>, window_params = [{transform_indices = #map}, {transform_indices = #map1}, {transform_indices = #map1}]} {
    %mul3A = arith.constant 2 : i32
    %mul3A_0 = arith.muli %arg1, %mul3A : i32
    %add3A = arith.addi %mul3A_0, %arg0 : i32
    %mul3A_1 = arith.constant 64 : i32
    %mul3A_2 = arith.muli %add3A, %mul3A_1 : i32
    %add3A_3 = arith.constant 0 : i32
    %add3A_4 = arith.addi %add3A_3, %mul3A_2 : i32
    %iota3A = tpu.iota {dimensions = array<i32: 0>} : vector<16xi32>
    %dma_start3A = arith.constant 0 : i32
    %dma_start3A_5 = tpu.memref_slice %arg2[%add3A_4, %dma_start3A] : memref<2048x2048xf32, #tpu.memory_space<hbm>> -> memref<1x2048xf32, #tpu.memory_space<hbm>>
    %dma_start3A_6 = tpu.memref_squeeze %dma_start3A_5 : memref<1x2048xf32, #tpu.memory_space<hbm>> -> memref<2048xf32, #tpu.memory_space<hbm>>
    %dma_start3A_7 = arith.constant 0 : i32
    %dma_start3A_8 = tpu.memref_slice %arg2[%add3A_4, %dma_start3A_7] : memref<2048x2048xf32, #tpu.memory_space<hbm>> -> memref<1x2048xf32, #tpu.memory_space<hbm>>
    %dma_start3A_9 = tpu.memref_squeeze %dma_start3A_8 : memref<1x2048xf32, #tpu.memory_space<hbm>> -> memref<2048xf32, #tpu.memory_space<hbm>>
    tpu.enqueue_dma source(%dma_start3A_9 : memref<2048xf32, #tpu.memory_space<hbm>>) target(%arg5 : memref<2048xf32, #tpu.memory_space<vmem>>) target_semaphore(%arg9 : memref<!tpu.dma_semaphore, #tpu.memory_space<semaphore_mem>>)
    %scan3A = arith.constant 0 : i32
    %scan3A_10 = arith.constant 0 : i32
    %scan3A_11 = arith.constant 32 : i32
    %scan3A_12 = arith.addi %scan3A_10, %scan3A_11 : i32
    %scan3A_13 = arith.constant 1 : i32
    scf.for %scan3A_20 = %scan3A_10 to %scan3A_12 step %scan3A_13  : i32 {
      %mul3A_21 = arith.constant 2 : i32
      %mul3A_22 = arith.muli %scan3A_20, %mul3A_21 : i32
      %add3A_23 = arith.addi %add3A_4, %mul3A_22 : i32
      %add3A_24 = arith.constant 1 : i32
      %add3A_25 = arith.addi %add3A_23, %add3A_24 : i32
      %dma_start3A_26 = arith.constant 0 : i32
      %dma_start3A_27 = tpu.memref_slice %arg2[%add3A_25, %dma_start3A_26] : memref<2048x2048xf32, #tpu.memory_space<hbm>> -> memref<1x2048xf32, #tpu.memory_space<hbm>>
      %dma_start3A_28 = tpu.memref_squeeze %dma_start3A_27 : memref<1x2048xf32, #tpu.memory_space<hbm>> -> memref<2048xf32, #tpu.memory_space<hbm>>
      %dma_start3A_29 = arith.constant 0 : i32
      %dma_start3A_30 = tpu.memref_slice %arg2[%add3A_25, %dma_start3A_29] : memref<2048x2048xf32, #tpu.memory_space<hbm>> -> memref<1x2048xf32, #tpu.memory_space<hbm>>
      %dma_start3A_31 = tpu.memref_squeeze %dma_start3A_30 : memref<1x2048xf32, #tpu.memory_space<hbm>> -> memref<2048xf32, #tpu.memory_space<hbm>>
      tpu.enqueue_dma source(%dma_start3A_31 : memref<2048xf32, #tpu.memory_space<hbm>>) target(%arg6 : memref<2048xf32, #tpu.memory_space<vmem>>) target_semaphore(%arg10 : memref<!tpu.dma_semaphore, #tpu.memory_space<semaphore_mem>>)
      %dma_wait3A_32 = arith.constant 0 : i32
      %dma_wait3A_33 = tpu.memref_slice %arg2[%add3A_23, %dma_wait3A_32] : memref<2048x2048xf32, #tpu.memory_space<hbm>> -> memref<1x2048xf32, #tpu.memory_space<hbm>>
      %dma_wait3A_34 = tpu.memref_squeeze %dma_wait3A_33 : memref<1x2048xf32, #tpu.memory_space<hbm>> -> memref<2048xf32, #tpu.memory_space<hbm>>
      %dma_wait3A_35 = arith.constant 0 : i32
      %dma_wait3A_36 = tpu.memref_slice %arg2[%add3A_23, %dma_wait3A_35] : memref<2048x2048xf32, #tpu.memory_space<hbm>> -> memref<1x2048xf32, #tpu.memory_space<hbm>>
      %dma_wait3A_37 = tpu.memref_squeeze %dma_wait3A_36 : memref<1x2048xf32, #tpu.memory_space<hbm>> -> memref<2048xf32, #tpu.memory_space<hbm>>
      tpu.wait_dma2 semaphore(%arg9 : memref<!tpu.dma_semaphore, #tpu.memory_space<semaphore_mem>>) src(%dma_wait3A_37 : memref<2048xf32, #tpu.memory_space<hbm>>) dst(%arg5 : memref<2048xf32, #tpu.memory_space<vmem>>)
      %broadcast_in_dim3A = arith.constant 0x7F800000 : f32
      %broadcast_in_dim3A_38 = vector.broadcast %broadcast_in_dim3A : f32 to vector<16xf32>
      %broadcast_in_dim3A_39 = arith.constant 0 : i32
      %broadcast_in_dim3A_40 = vector.broadcast %broadcast_in_dim3A_39 : i32 to vector<16xi32>
      %scan3A_41 = arith.constant 0 : i32
      %scan3A_42 = arith.constant 16 : i32
      %scan3A_43 = arith.addi %scan3A_41, %scan3A_42 : i32
      %scan3A_44 = arith.constant 1 : i32
      %scan3A_45:2 = scf.for %scan3A_90 = %scan3A_41 to %scan3A_43 step %scan3A_44 iter_args(%scan3A_91 = %broadcast_in_dim3A_38, %scan3A_92 = %broadcast_in_dim3A_40) -> (vector<16xf32>, vector<16xi32>)  : i32 {
        %mul3A_93 = arith.constant 8 : i32
        %mul3A_94 = arith.muli %scan3A_90, %mul3A_93 : i32
        %add3A_95 = arith.constant 0 : i32
        %add3A_96 = arith.addi %mul3A_94, %add3A_95 : i32
        %mul3A_97 = arith.constant 16 : i32
        %mul3A_98 = arith.muli %add3A_96, %mul3A_97 : i32
        %get3A = arith.index_cast %mul3A_98 : i32 to index
        %get3A_99 = tpu.vector_load %arg5[%get3A] {strides = array<i32>} : memref<2048xf32, #tpu.memory_space<vmem>>, vector<16xf32>,
        %mul3A_100 = arith.constant 16 : i32
        %mul3A_101 = arith.muli %add3A_96, %mul3A_100 : i32
        %add3A_102 = vector.broadcast %mul3A_101 : i32 to vector<16xi32>
        %add3A_103 = arith.addi %iota3A, %add3A_102 : vector<16xi32>
        %masked_sort3A = arith.constant dense<true> : vector<16xi1>
        %masked_sort3A_104, %masked_sort3A_105, %masked_sort3A_106 = tpu.sort %get3A_99, %add3A_103 masked %masked_sort3A : (vector<16xf32>, vector<16xi32>, vector<16xi1>) -> (vector<16xi1>, vector<16xf32>, vector<16xi32>)
        %mul3A_107 = arith.constant 8 : i32
        %mul3A_108 = arith.muli %scan3A_90, %mul3A_107 : i32
        %add3A_109 = arith.constant 1 : i32
        %add3A_110 = arith.addi %mul3A_108, %add3A_109 : i32
        %mul3A_111 = arith.constant 16 : i32
        %mul3A_112 = arith.muli %add3A_110, %mul3A_111 : i32
        %get3A_113 = arith.index_cast %mul3A_112 : i32 to index
        %get3A_114 = tpu.vector_load %arg5[%get3A_113] {strides = array<i32>} : memref<2048xf32, #tpu.memory_space<vmem>>, vector<16xf32>,
        %mul3A_115 = arith.constant 16 : i32
        %mul3A_116 = arith.muli %add3A_110, %mul3A_115 : i32
        %add3A_117 = vector.broadcast %mul3A_116 : i32 to vector<16xi32>
        %add3A_118 = arith.addi %iota3A, %add3A_117 : vector<16xi32>
        %masked_sort3A_119 = arith.constant dense<true> : vector<16xi1>
        %masked_sort3A_120, %masked_sort3A_121, %masked_sort3A_122 = tpu.sort %get3A_114, %add3A_118 masked %masked_sort3A_119 {descending = true} : (vector<16xf32>, vector<16xi32>, vector<16xi1>) -> (vector<16xi1>, vector<16xf32>, vector<16xi32>)
        %mul3A_123 = arith.constant 8 : i32
        %mul3A_124 = arith.muli %scan3A_90, %mul3A_123 : i32
        %add3A_125 = arith.constant 2 : i32
        %add3A_126 = arith.addi %mul3A_124, %add3A_125 : i32
        %mul3A_127 = arith.constant 16 : i32
        %mul3A_128 = arith.muli %add3A_126, %mul3A_127 : i32
        %get3A_129 = arith.index_cast %mul3A_128 : i32 to index
        %get3A_130 = tpu.vector_load %arg5[%get3A_129] {strides = array<i32>} : memref<2048xf32, #tpu.memory_space<vmem>>, vector<16xf32>,
        %mul3A_131 = arith.constant 16 : i32
        %mul3A_132 = arith.muli %add3A_126, %mul3A_131 : i32
        %add3A_133 = vector.broadcast %mul3A_132 : i32 to vector<16xi32>
        %add3A_134 = arith.addi %iota3A, %add3A_133 : vector<16xi32>
        %masked_sort3A_135 = arith.constant dense<true> : vector<16xi1>
        %masked_sort3A_136, %masked_sort3A_137, %masked_sort3A_138 = tpu.sort %get3A_130, %add3A_134 masked %masked_sort3A_135 : (vector<16xf32>, vector<16xi32>, vector<16xi1>) -> (vector<16xi1>, vector<16xf32>, vector<16xi32>)
        %mul3A_139 = arith.constant 8 : i32
        %mul3A_140 = arith.muli %scan3A_90, %mul3A_139 : i32
        %add3A_141 = arith.constant 3 : i32
        %add3A_142 = arith.addi %mul3A_140, %add3A_141 : i32
        %mul3A_143 = arith.constant 16 : i32
        %mul3A_144 = arith.muli %add3A_142, %mul3A_143 : i32
        %get3A_145 = arith.index_cast %mul3A_144 : i32 to index
        %get3A_146 = tpu.vector_load %arg5[%get3A_145] {strides = array<i32>} : memref<2048xf32, #tpu.memory_space<vmem>>, vector<16xf32>,
        %mul3A_147 = arith.constant 16 : i32
        %mul3A_148 = arith.muli %add3A_142, %mul3A_147 : i32
        %add3A_149 = vector.broadcast %mul3A_148 : i32 to vector<16xi32>
        %add3A_150 = arith.addi %iota3A, %add3A_149 : vector<16xi32>
        %masked_sort3A_151 = arith.constant dense<true> : vector<16xi1>
        %masked_sort3A_152, %masked_sort3A_153, %masked_sort3A_154 = tpu.sort %get3A_146, %add3A_150 masked %masked_sort3A_151 {descending = true} : (vector<16xf32>, vector<16xi32>, vector<16xi1>) -> (vector<16xi1>, vector<16xf32>, vector<16xi32>)
        %mul3A_155 = arith.constant 8 : i32
        %mul3A_156 = arith.muli %scan3A_90, %mul3A_155 : i32
        %add3A_157 = arith.constant 4 : i32
        %add3A_158 = arith.addi %mul3A_156, %add3A_157 : i32
        %mul3A_159 = arith.constant 16 : i32
        %mul3A_160 = arith.muli %add3A_158, %mul3A_159 : i32
        %get3A_161 = arith.index_cast %mul3A_160 : i32 to index
        %get3A_162 = tpu.vector_load %arg5[%get3A_161] {strides = array<i32>} : memref<2048xf32, #tpu.memory_space<vmem>>, vector<16xf32>,
        %mul3A_163 = arith.constant 16 : i32
        %mul3A_164 = arith.muli %add3A_158, %mul3A_163 : i32
        %add3A_165 = vector.broadcast %mul3A_164 : i32 to vector<16xi32>
        %add3A_166 = arith.addi %iota3A, %add3A_165 : vector<16xi32>
        %masked_sort3A_167 = arith.constant dense<true> : vector<16xi1>
        %masked_sort3A_168, %masked_sort3A_169, %masked_sort3A_170 = tpu.sort %get3A_162, %add3A_166 masked %masked_sort3A_167 : (vector<16xf32>, vector<16xi32>, vector<16xi1>) -> (vector<16xi1>, vector<16xf32>, vector<16xi32>)
        %mul3A_171 = arith.constant 8 : i32
        %mul3A_172 = arith.muli %scan3A_90, %mul3A_171 : i32
        %add3A_173 = arith.constant 5 : i32
        %add3A_174 = arith.addi %mul3A_172, %add3A_173 : i32
        %mul3A_175 = arith.constant 16 : i32
        %mul3A_176 = arith.muli %add3A_174, %mul3A_175 : i32
        %get3A_177 = arith.index_cast %mul3A_176 : i32 to index
        %get3A_178 = tpu.vector_load %arg5[%get3A_177] {strides = array<i32>} : memref<2048xf32, #tpu.memory_space<vmem>>, vector<16xf32>,
        %mul3A_179 = arith.constant 16 : i32
        %mul3A_180 = arith.muli %add3A_174, %mul3A_179 : i32
        %add3A_181 = vector.broadcast %mul3A_180 : i32 to vector<16xi32>
        %add3A_182 = arith.addi %iota3A, %add3A_181 : vector<16xi32>
        %masked_sort3A_183 = arith.constant dense<true> : vector<16xi1>
        %masked_sort3A_184, %masked_sort3A_185, %masked_sort3A_186 = tpu.sort %get3A_178, %add3A_182 masked %masked_sort3A_183 {descending = true} : (vector<16xf32>, vector<16xi32>, vector<16xi1>) -> (vector<16xi1>, vector<16xf32>, vector<16xi32>)
        %mul3A_187 = arith.constant 8 : i32
        %mul3A_188 = arith.muli %scan3A_90, %mul3A_187 : i32
        %add3A_189 = arith.constant 6 : i32
        %add3A_190 = arith.addi %mul3A_188, %add3A_189 : i32
        %mul3A_191 = arith.constant 16 : i32
        %mul3A_192 = arith.muli %add3A_190, %mul3A_191 : i32
        %get3A_193 = arith.index_cast %mul3A_192 : i32 to index
        %get3A_194 = tpu.vector_load %arg5[%get3A_193] {strides = array<i32>} : memref<2048xf32, #tpu.memory_space<vmem>>, vector<16xf32>,
        %mul3A_195 = arith.constant 16 : i32
        %mul3A_196 = arith.muli %add3A_190, %mul3A_195 : i32
        %add3A_197 = vector.broadcast %mul3A_196 : i32 to vector<16xi32>
        %add3A_198 = arith.addi %iota3A, %add3A_197 : vector<16xi32>
        %masked_sort3A_199 = arith.constant dense<true> : vector<16xi1>
        %masked_sort3A_200, %masked_sort3A_201, %masked_sort3A_202 = tpu.sort %get3A_194, %add3A_198 masked %masked_sort3A_199 : (vector<16xf32>, vector<16xi32>, vector<16xi1>) -> (vector<16xi1>, vector<16xf32>, vector<16xi32>)
        %mul3A_203 = arith.constant 8 : i32
        %mul3A_204 = arith.muli %scan3A_90, %mul3A_203 : i32
        %add3A_205 = arith.constant 7 : i32
        %add3A_206 = arith.addi %mul3A_204, %add3A_205 : i32
        %mul3A_207 = arith.constant 16 : i32
        %mul3A_208 = arith.muli %add3A_206, %mul3A_207 : i32
        %get3A_209 = arith.index_cast %mul3A_208 : i32 to index
        %get3A_210 = tpu.vector_load %arg5[%get3A_209] {strides = array<i32>} : memref<2048xf32, #tpu.memory_space<vmem>>, vector<16xf32>,
        %mul3A_211 = arith.constant 16 : i32
        %mul3A_212 = arith.muli %add3A_206, %mul3A_211 : i32
        %add3A_213 = vector.broadcast %mul3A_212 : i32 to vector<16xi32>
        %add3A_214 = arith.addi %iota3A, %add3A_213 : vector<16xi32>
        %masked_sort3A_215 = arith.constant dense<true> : vector<16xi1>
        %masked_sort3A_216, %masked_sort3A_217, %masked_sort3A_218 = tpu.sort %get3A_210, %add3A_214 masked %masked_sort3A_215 {descending = true} : (vector<16xf32>, vector<16xi32>, vector<16xi1>) -> (vector<16xi1>, vector<16xf32>, vector<16xi32>)
        %lt3A = arith.cmpf olt, %masked_sort3A_121, %masked_sort3A_105 : vector<16xf32>
        %select_n3A = arith.select %lt3A, %masked_sort3A_121, %masked_sort3A_105 : vector<16xi1>, vector<16xf32>
        %select_n3A_219 = arith.select %lt3A, %masked_sort3A_122, %masked_sort3A_106 : vector<16xi1>, vector<16xi32>
        %masked_sort3A_220 = arith.constant dense<true> : vector<16xi1>
        %masked_sort3A_221, %masked_sort3A_222, %masked_sort3A_223 = tpu.sort %select_n3A, %select_n3A_219 masked %masked_sort3A_220 : (vector<16xf32>, vector<16xi32>, vector<16xi1>) -> (vector<16xi1>, vector<16xf32>, vector<16xi32>)
        %lt3A_224 = arith.cmpf olt, %masked_sort3A_153, %masked_sort3A_137 : vector<16xf32>
        %select_n3A_225 = arith.select %lt3A_224, %masked_sort3A_153, %masked_sort3A_137 : vector<16xi1>, vector<16xf32>
        %select_n3A_226 = arith.select %lt3A_224, %masked_sort3A_154, %masked_sort3A_138 : vector<16xi1>, vector<16xi32>
        %masked_sort3A_227 = arith.constant dense<true> : vector<16xi1>
        %masked_sort3A_228, %masked_sort3A_229, %masked_sort3A_230 = tpu.sort %select_n3A_225, %select_n3A_226 masked %masked_sort3A_227 {descending = true} : (vector<16xf32>, vector<16xi32>, vector<16xi1>) -> (vector<16xi1>, vector<16xf32>, vector<16xi32>)
        %lt3A_231 = arith.cmpf olt, %masked_sort3A_185, %masked_sort3A_169 : vector<16xf32>
        %select_n3A_232 = arith.select %lt3A_231, %masked_sort3A_185, %masked_sort3A_169 : vector<16xi1>, vector<16xf32>
        %select_n3A_233 = arith.select %lt3A_231, %masked_sort3A_186, %masked_sort3A_170 : vector<16xi1>, vector<16xi32>
        %masked_sort3A_234 = arith.constant dense<true> : vector<16xi1>
        %masked_sort3A_235, %masked_sort3A_236, %masked_sort3A_237 = tpu.sort %select_n3A_232, %select_n3A_233 masked %masked_sort3A_234 : (vector<16xf32>, vector<16xi32>, vector<16xi1>) -> (vector<16xi1>, vector<16xf32>, vector<16xi32>)
        %lt3A_238 = arith.cmpf olt, %masked_sort3A_217, %masked_sort3A_201 : vector<16xf32>
        %select_n3A_239 = arith.select %lt3A_238, %masked_sort3A_217, %masked_sort3A_201 : vector<16xi1>, vector<16xf32>
        %select_n3A_240 = arith.select %lt3A_238, %masked_sort3A_218, %masked_sort3A_202 : vector<16xi1>, vector<16xi32>
        %masked_sort3A_241 = arith.constant dense<true> : vector<16xi1>
        %masked_sort3A_242, %masked_sort3A_243, %masked_sort3A_244 = tpu.sort %select_n3A_239, %select_n3A_240 masked %masked_sort3A_241 {descending = true} : (vector<16xf32>, vector<16xi32>, vector<16xi1>) -> (vector<16xi1>, vector<16xf32>, vector<16xi32>)
        %lt3A_245 = arith.cmpf olt, %masked_sort3A_229, %masked_sort3A_222 : vector<16xf32>
        %select_n3A_246 = arith.select %lt3A_245, %masked_sort3A_229, %masked_sort3A_222 : vector<16xi1>, vector<16xf32>
        %select_n3A_247 = arith.select %lt3A_245, %masked_sort3A_230, %masked_sort3A_223 : vector<16xi1>, vector<16xi32>
        %masked_sort3A_248 = arith.constant dense<true> : vector<16xi1>
        %masked_sort3A_249, %masked_sort3A_250, %masked_sort3A_251 = tpu.sort %select_n3A_246, %select_n3A_247 masked %masked_sort3A_248 : (vector<16xf32>, vector<16xi32>, vector<16xi1>) -> (vector<16xi1>, vector<16xf32>, vector<16xi32>)
        %lt3A_252 = arith.cmpf olt, %masked_sort3A_243, %masked_sort3A_236 : vector<16xf32>
        %select_n3A_253 = arith.select %lt3A_252, %masked_sort3A_243, %masked_sort3A_236 : vector<16xi1>, vector<16xf32>
        %select_n3A_254 = arith.select %lt3A_252, %masked_sort3A_244, %masked_sort3A_237 : vector<16xi1>, vector<16xi32>
        %masked_sort3A_255 = arith.constant dense<true> : vector<16xi1>
        %masked_sort3A_256, %masked_sort3A_257, %masked_sort3A_258 = tpu.sort %select_n3A_253, %select_n3A_254 masked %masked_sort3A_255 {descending = true} : (vector<16xf32>, vector<16xi32>, vector<16xi1>) -> (vector<16xi1>, vector<16xf32>, vector<16xi32>)
        %lt3A_259 = arith.cmpf olt, %masked_sort3A_257, %masked_sort3A_250 : vector<16xf32>
        %select_n3A_260 = arith.select %lt3A_259, %masked_sort3A_257, %masked_sort3A_250 : vector<16xi1>, vector<16xf32>
        %select_n3A_261 = arith.select %lt3A_259, %masked_sort3A_258, %masked_sort3A_251 : vector<16xi1>, vector<16xi32>
        %masked_sort3A_262 = arith.constant dense<true> : vector<16xi1>
        %masked_sort3A_263, %masked_sort3A_264, %masked_sort3A_265 = tpu.sort %select_n3A_260, %select_n3A_261 masked %masked_sort3A_262 {descending = true} : (vector<16xf32>, vector<16xi32>, vector<16xi1>) -> (vector<16xi1>, vector<16xf32>, vector<16xi32>)
        %lt3A_266 = arith.cmpf olt, %masked_sort3A_264, %scan3A_91 : vector<16xf32>
        %select_n3A_267 = arith.select %lt3A_266, %masked_sort3A_264, %scan3A_91 : vector<16xi1>, vector<16xf32>
        %select_n3A_268 = arith.select %lt3A_266, %masked_sort3A_265, %scan3A_92 : vector<16xi1>, vector<16xi32>
        %masked_sort3A_269 = arith.constant dense<true> : vector<16xi1>
        %masked_sort3A_270, %masked_sort3A_271, %masked_sort3A_272 = tpu.sort %select_n3A_267, %select_n3A_268 masked %masked_sort3A_269 : (vector<16xf32>, vector<16xi32>, vector<16xi1>) -> (vector<16xi1>, vector<16xf32>, vector<16xi32>)
        scf.yield %masked_sort3A_271, %masked_sort3A_272 : vector<16xf32>, vector<16xi32>
      }
      %scan3A_46 = arith.constant 16 : i32
      %swap3A = arith.constant 0 : index
      %swap3A_47 = tpu.vector_load %arg7[%swap3A] {strides = array<i32>} : memref<16xi32, #tpu.memory_space<vmem>>, vector<16xi32>,
      tpu.vector_store %arg7[%swap3A], %scan3A_45#1 {strides = array<i32>} : memref<16xi32, #tpu.memory_space<vmem>>, vector<16xi32>,
      %swap3A_48 = arith.constant 0 : index
      %swap3A_49 = tpu.vector_load %arg8[%swap3A_48] {strides = array<i32>} : memref<16xf32, #tpu.memory_space<vmem>>, vector<16xf32>,
      tpu.vector_store %arg8[%swap3A_48], %scan3A_45#0 {strides = array<i32>} : memref<16xf32, #tpu.memory_space<vmem>>, vector<16xf32>,
      %sub3A = arith.constant 0 : i32
      %sub3A_50 = arith.subi %add3A_23, %sub3A : i32
      %mul3A_51 = arith.constant 16 : i32
      %mul3A_52 = arith.muli %sub3A_50, %mul3A_51 : i32
      "tpu.region"() ({
        %run_scoped3A = tpu.sem_alloc : memref<!tpu.dma_semaphore, #tpu.memory_space<semaphore_mem>>
        %dma_start3A_90 = tpu.memref_slice %arg3[%mul3A_52] : memref<32768xi32, #tpu.memory_space<hbm>> -> memref<16xi32, #tpu.memory_space<hbm>>
        %dma_start3A_91 = tpu.memref_slice %arg3[%mul3A_52] : memref<32768xi32, #tpu.memory_space<hbm>> -> memref<16xi32, #tpu.memory_space<hbm>>
        tpu.enqueue_dma source(%arg7 : memref<16xi32, #tpu.memory_space<vmem>>) target(%dma_start3A_91 : memref<16xi32, #tpu.memory_space<hbm>>) target_semaphore(%run_scoped3A : memref<!tpu.dma_semaphore, #tpu.memory_space<semaphore_mem>>)
        %dma_wait3A_92 = tpu.memref_slice %arg3[%mul3A_52] : memref<32768xi32, #tpu.memory_space<hbm>> -> memref<16xi32, #tpu.memory_space<hbm>>
        %dma_wait3A_93 = tpu.memref_slice %arg3[%mul3A_52] : memref<32768xi32, #tpu.memory_space<hbm>> -> memref<16xi32, #tpu.memory_space<hbm>>
        tpu.wait_dma2 semaphore(%run_scoped3A : memref<!tpu.dma_semaphore, #tpu.memory_space<semaphore_mem>>) src(%arg7 : memref<16xi32, #tpu.memory_space<vmem>>) dst(%dma_wait3A_93 : memref<16xi32, #tpu.memory_space<hbm>>)
        tpu.yield
      }) : () -> ()
      "tpu.region"() ({
        %run_scoped3A = tpu.sem_alloc : memref<!tpu.dma_semaphore, #tpu.memory_space<semaphore_mem>>
        %dma_start3A_90 = tpu.memref_slice %arg4[%mul3A_52] : memref<32768xf32, #tpu.memory_space<hbm>> -> memref<16xf32, #tpu.memory_space<hbm>>
        %dma_start3A_91 = tpu.memref_slice %arg4[%mul3A_52] : memref<32768xf32, #tpu.memory_space<hbm>> -> memref<16xf32, #tpu.memory_space<hbm>>
        tpu.enqueue_dma source(%arg8 : memref<16xf32, #tpu.memory_space<vmem>>) target(%dma_start3A_91 : memref<16xf32, #tpu.memory_space<hbm>>) target_semaphore(%run_scoped3A : memref<!tpu.dma_semaphore, #tpu.memory_space<semaphore_mem>>)
        %dma_wait3A_92 = tpu.memref_slice %arg4[%mul3A_52] : memref<32768xf32, #tpu.memory_space<hbm>> -> memref<16xf32, #tpu.memory_space<hbm>>
        %dma_wait3A_93 = tpu.memref_slice %arg4[%mul3A_52] : memref<32768xf32, #tpu.memory_space<hbm>> -> memref<16xf32, #tpu.memory_space<hbm>>
        tpu.wait_dma2 semaphore(%run_scoped3A : memref<!tpu.dma_semaphore, #tpu.memory_space<semaphore_mem>>) src(%arg8 : memref<16xf32, #tpu.memory_space<vmem>>) dst(%dma_wait3A_93 : memref<16xf32, #tpu.memory_space<hbm>>)
        tpu.yield
      }) : () -> ()
      %add3A_53 = arith.constant 2 : i32
      %add3A_54 = arith.addi %add3A_23, %add3A_53 : i32
      %min3A = arith.constant 2047 : i32
      %min3A_55 = arith.minsi %add3A_54, %min3A : i32
      %dma_start3A_56 = arith.constant 0 : i32
      %dma_start3A_57 = tpu.memref_slice %arg2[%min3A_55, %dma_start3A_56] : memref<2048x2048xf32, #tpu.memory_space<hbm>> -> memref<1x2048xf32, #tpu.memory_space<hbm>>
      %dma_start3A_58 = tpu.memref_squeeze %dma_start3A_57 : memref<1x2048xf32, #tpu.memory_space<hbm>> -> memref<2048xf32, #tpu.memory_space<hbm>>
      %dma_start3A_59 = arith.constant 0 : i32
      %dma_start3A_60 = tpu.memref_slice %arg2[%min3A_55, %dma_start3A_59] : memref<2048x2048xf32, #tpu.memory_space<hbm>> -> memref<1x2048xf32, #tpu.memory_space<hbm>>
      %dma_start3A_61 = tpu.memref_squeeze %dma_start3A_60 : memref<1x2048xf32, #tpu.memory_space<hbm>> -> memref<2048xf32, #tpu.memory_space<hbm>>
      tpu.enqueue_dma source(%dma_start3A_61 : memref<2048xf32, #tpu.memory_space<hbm>>) target(%arg5 : memref<2048xf32, #tpu.memory_space<vmem>>) target_semaphore(%arg9 : memref<!tpu.dma_semaphore, #tpu.memory_space<semaphore_mem>>)
      %add3A_62 = arith.constant 1 : i32
      %add3A_63 = arith.addi %add3A_23, %add3A_62 : i32
      %dma_wait3A_64 = arith.constant 0 : i32
      %dma_wait3A_65 = tpu.memref_slice %arg2[%add3A_63, %dma_wait3A_64] : memref<2048x2048xf32, #tpu.memory_space<hbm>> -> memref<1x2048xf32, #tpu.memory_space<hbm>>
      %dma_wait3A_66 = tpu.memref_squeeze %dma_wait3A_65 : memref<1x2048xf32, #tpu.memory_space<hbm>> -> memref<2048xf32, #tpu.memory_space<hbm>>
      %dma_wait3A_67 = arith.constant 0 : i32
      %dma_wait3A_68 = tpu.memref_slice %arg2[%add3A_63, %dma_wait3A_67] : memref<2048x2048xf32, #tpu.memory_space<hbm>> -> memref<1x2048xf32, #tpu.memory_space<hbm>>
      %dma_wait3A_69 = tpu.memref_squeeze %dma_wait3A_68 : memref<1x2048xf32, #tpu.memory_space<hbm>> -> memref<2048xf32, #tpu.memory_space<hbm>>
      tpu.wait_dma2 semaphore(%arg10 : memref<!tpu.dma_semaphore, #tpu.memory_space<semaphore_mem>>) src(%dma_wait3A_69 : memref<2048xf32, #tpu.memory_space<hbm>>) dst(%arg6 : memref<2048xf32, #tpu.memory_space<vmem>>)
      %add3A_70 = arith.constant 1 : i32
      %add3A_71 = arith.addi %add3A_23, %add3A_70 : i32
      %broadcast_in_dim3A_72 = arith.constant 0x7F800000 : f32
      %broadcast_in_dim3A_73 = vector.broadcast %broadcast_in_dim3A_72 : f32 to vector<16xf32>
      %broadcast_in_dim3A_74 = arith.constant 0 : i32
      %broadcast_in_dim3A_75 = vector.broadcast %broadcast_in_dim3A_74 : i32 to vector<16xi32>
      %scan3A_76 = arith.constant 0 : i32
      %scan3A_77 = arith.constant 16 : i32
      %scan3A_78 = arith.addi %scan3A_76, %scan3A_77 : i32
      %scan3A_79 = arith.constant 1 : i32
      %scan3A_80:2 = scf.for %scan3A_90 = %scan3A_76 to %scan3A_78 step %scan3A_79 iter_args(%scan3A_91 = %broadcast_in_dim3A_73, %scan3A_92 = %broadcast_in_dim3A_75) -> (vector<16xf32>, vector<16xi32>)  : i32 {
        %mul3A_93 = arith.constant 8 : i32
        %mul3A_94 = arith.muli %scan3A_90, %mul3A_93 : i32
        %add3A_95 = arith.constant 0 : i32
        %add3A_96 = arith.addi %mul3A_94, %add3A_95 : i32
        %mul3A_97 = arith.constant 16 : i32
        %mul3A_98 = arith.muli %add3A_96, %mul3A_97 : i32
        %get3A = arith.index_cast %mul3A_98 : i32 to index
        %get3A_99 = tpu.vector_load %arg6[%get3A] {strides = array<i32>} : memref<2048xf32, #tpu.memory_space<vmem>>, vector<16xf32>,
        %mul3A_100 = arith.constant 16 : i32
        %mul3A_101 = arith.muli %add3A_96, %mul3A_100 : i32
        %add3A_102 = vector.broadcast %mul3A_101 : i32 to vector<16xi32>
        %add3A_103 = arith.addi %iota3A, %add3A_102 : vector<16xi32>
        %masked_sort3A = arith.constant dense<true> : vector<16xi1>
        %masked_sort3A_104, %masked_sort3A_105, %masked_sort3A_106 = tpu.sort %get3A_99, %add3A_103 masked %masked_sort3A : (vector<16xf32>, vector<16xi32>, vector<16xi1>) -> (vector<16xi1>, vector<16xf32>, vector<16xi32>)
        %mul3A_107 = arith.constant 8 : i32
        %mul3A_108 = arith.muli %scan3A_90, %mul3A_107 : i32
        %add3A_109 = arith.constant 1 : i32
        %add3A_110 = arith.addi %mul3A_108, %add3A_109 : i32
        %mul3A_111 = arith.constant 16 : i32
        %mul3A_112 = arith.muli %add3A_110, %mul3A_111 : i32
        %get3A_113 = arith.index_cast %mul3A_112 : i32 to index
        %get3A_114 = tpu.vector_load %arg6[%get3A_113] {strides = array<i32>} : memref<2048xf32, #tpu.memory_space<vmem>>, vector<16xf32>,
        %mul3A_115 = arith.constant 16 : i32
        %mul3A_116 = arith.muli %add3A_110, %mul3A_115 : i32
        %add3A_117 = vector.broadcast %mul3A_116 : i32 to vector<16xi32>
        %add3A_118 = arith.addi %iota3A, %add3A_117 : vector<16xi32>
        %masked_sort3A_119 = arith.constant dense<true> : vector<16xi1>
        %masked_sort3A_120, %masked_sort3A_121, %masked_sort3A_122 = tpu.sort %get3A_114, %add3A_118 masked %masked_sort3A_119 {descending = true} : (vector<16xf32>, vector<16xi32>, vector<16xi1>) -> (vector<16xi1>, vector<16xf32>, vector<16xi32>)
        %mul3A_123 = arith.constant 8 : i32
        %mul3A_124 = arith.muli %scan3A_90, %mul3A_123 : i32
        %add3A_125 = arith.constant 2 : i32
        %add3A_126 = arith.addi %mul3A_124, %add3A_125 : i32
        %mul3A_127 = arith.constant 16 : i32
        %mul3A_128 = arith.muli %add3A_126, %mul3A_127 : i32
        %get3A_129 = arith.index_cast %mul3A_128 : i32 to index
        %get3A_130 = tpu.vector_load %arg6[%get3A_129] {strides = array<i32>} : memref<2048xf32, #tpu.memory_space<vmem>>, vector<16xf32>,
        %mul3A_131 = arith.constant 16 : i32
        %mul3A_132 = arith.muli %add3A_126, %mul3A_131 : i32
        %add3A_133 = vector.broadcast %mul3A_132 : i32 to vector<16xi32>
        %add3A_134 = arith.addi %iota3A, %add3A_133 : vector<16xi32>
        %masked_sort3A_135 = arith.constant dense<true> : vector<16xi1>
        %masked_sort3A_136, %masked_sort3A_137, %masked_sort3A_138 = tpu.sort %get3A_130, %add3A_134 masked %masked_sort3A_135 : (vector<16xf32>, vector<16xi32>, vector<16xi1>) -> (vector<16xi1>, vector<16xf32>, vector<16xi32>)
        %mul3A_139 = arith.constant 8 : i32
        %mul3A_140 = arith.muli %scan3A_90, %mul3A_139 : i32
        %add3A_141 = arith.constant 3 : i32
        %add3A_142 = arith.addi %mul3A_140, %add3A_141 : i32
        %mul3A_143 = arith.constant 16 : i32
        %mul3A_144 = arith.muli %add3A_142, %mul3A_143 : i32
        %get3A_145 = arith.index_cast %mul3A_144 : i32 to index
        %get3A_146 = tpu.vector_load %arg6[%get3A_145] {strides = array<i32>} : memref<2048xf32, #tpu.memory_space<vmem>>, vector<16xf32>,
        %mul3A_147 = arith.constant 16 : i32
        %mul3A_148 = arith.muli %add3A_142, %mul3A_147 : i32
        %add3A_149 = vector.broadcast %mul3A_148 : i32 to vector<16xi32>
        %add3A_150 = arith.addi %iota3A, %add3A_149 : vector<16xi32>
        %masked_sort3A_151 = arith.constant dense<true> : vector<16xi1>
        %masked_sort3A_152, %masked_sort3A_153, %masked_sort3A_154 = tpu.sort %get3A_146, %add3A_150 masked %masked_sort3A_151 {descending = true} : (vector<16xf32>, vector<16xi32>, vector<16xi1>) -> (vector<16xi1>, vector<16xf32>, vector<16xi32>)
        %mul3A_155 = arith.constant 8 : i32
        %mul3A_156 = arith.muli %scan3A_90, %mul3A_155 : i32
        %add3A_157 = arith.constant 4 : i32
        %add3A_158 = arith.addi %mul3A_156, %add3A_157 : i32
        %mul3A_159 = arith.constant 16 : i32
        %mul3A_160 = arith.muli %add3A_158, %mul3A_159 : i32
        %get3A_161 = arith.index_cast %mul3A_160 : i32 to index
        %get3A_162 = tpu.vector_load %arg6[%get3A_161] {strides = array<i32>} : memref<2048xf32, #tpu.memory_space<vmem>>, vector<16xf32>,
        %mul3A_163 = arith.constant 16 : i32
        %mul3A_164 = arith.muli %add3A_158, %mul3A_163 : i32
        %add3A_165 = vector.broadcast %mul3A_164 : i32 to vector<16xi32>
        %add3A_166 = arith.addi %iota3A, %add3A_165 : vector<16xi32>
        %masked_sort3A_167 = arith.constant dense<true> : vector<16xi1>
        %masked_sort3A_168, %masked_sort3A_169, %masked_sort3A_170 = tpu.sort %get3A_162, %add3A_166 masked %masked_sort3A_167 : (vector<16xf32>, vector<16xi32>, vector<16xi1>) -> (vector<16xi1>, vector<16xf32>, vector<16xi32>)
        %mul3A_171 = arith.constant 8 : i32
        %mul3A_172 = arith.muli %scan3A_90, %mul3A_171 : i32
        %add3A_173 = arith.constant 5 : i32
        %add3A_174 = arith.addi %mul3A_172, %add3A_173 : i32
        %mul3A_175 = arith.constant 16 : i32
        %mul3A_176 = arith.muli %add3A_174, %mul3A_175 : i32
        %get3A_177 = arith.index_cast %mul3A_176 : i32 to index
        %get3A_178 = tpu.vector_load %arg6[%get3A_177] {strides = array<i32>} : memref<2048xf32, #tpu.memory_space<vmem>>, vector<16xf32>,
        %mul3A_179 = arith.constant 16 : i32
        %mul3A_180 = arith.muli %add3A_174, %mul3A_179 : i32
        %add3A_181 = vector.broadcast %mul3A_180 : i32 to vector<16xi32>
        %add3A_182 = arith.addi %iota3A, %add3A_181 : vector<16xi32>
        %masked_sort3A_183 = arith.constant dense<true> : vector<16xi1>
        %masked_sort3A_184, %masked_sort3A_185, %masked_sort3A_186 = tpu.sort %get3A_178, %add3A_182 masked %masked_sort3A_183 {descending = true} : (vector<16xf32>, vector<16xi32>, vector<16xi1>) -> (vector<16xi1>, vector<16xf32>, vector<16xi32>)
        %mul3A_187 = arith.constant 8 : i32
        %mul3A_188 = arith.muli %scan3A_90, %mul3A_187 : i32
        %add3A_189 = arith.constant 6 : i32
        %add3A_190 = arith.addi %mul3A_188, %add3A_189 : i32
        %mul3A_191 = arith.constant 16 : i32
        %mul3A_192 = arith.muli %add3A_190, %mul3A_191 : i32
        %get3A_193 = arith.index_cast %mul3A_192 : i32 to index
        %get3A_194 = tpu.vector_load %arg6[%get3A_193] {strides = array<i32>} : memref<2048xf32, #tpu.memory_space<vmem>>, vector<16xf32>,
        %mul3A_195 = arith.constant 16 : i32
        %mul3A_196 = arith.muli %add3A_190, %mul3A_195 : i32
        %add3A_197 = vector.broadcast %mul3A_196 : i32 to vector<16xi32>
        %add3A_198 = arith.addi %iota3A, %add3A_197 : vector<16xi32>
        %masked_sort3A_199 = arith.constant dense<true> : vector<16xi1>
        %masked_sort3A_200, %masked_sort3A_201, %masked_sort3A_202 = tpu.sort %get3A_194, %add3A_198 masked %masked_sort3A_199 : (vector<16xf32>, vector<16xi32>, vector<16xi1>) -> (vector<16xi1>, vector<16xf32>, vector<16xi32>)
        %mul3A_203 = arith.constant 8 : i32
        %mul3A_204 = arith.muli %scan3A_90, %mul3A_203 : i32
        %add3A_205 = arith.constant 7 : i32
        %add3A_206 = arith.addi %mul3A_204, %add3A_205 : i32
        %mul3A_207 = arith.constant 16 : i32
        %mul3A_208 = arith.muli %add3A_206, %mul3A_207 : i32
        %get3A_209 = arith.index_cast %mul3A_208 : i32 to index
        %get3A_210 = tpu.vector_load %arg6[%get3A_209] {strides = array<i32>} : memref<2048xf32, #tpu.memory_space<vmem>>, vector<16xf32>,
        %mul3A_211 = arith.constant 16 : i32
        %mul3A_212 = arith.muli %add3A_206, %mul3A_211 : i32
        %add3A_213 = vector.broadcast %mul3A_212 : i32 to vector<16xi32>
        %add3A_214 = arith.addi %iota3A, %add3A_213 : vector<16xi32>
        %masked_sort3A_215 = arith.constant dense<true> : vector<16xi1>
        %masked_sort3A_216, %masked_sort3A_217, %masked_sort3A_218 = tpu.sort %get3A_210, %add3A_214 masked %masked_sort3A_215 {descending = true} : (vector<16xf32>, vector<16xi32>, vector<16xi1>) -> (vector<16xi1>, vector<16xf32>, vector<16xi32>)
        %lt3A = arith.cmpf olt, %masked_sort3A_121, %masked_sort3A_105 : vector<16xf32>
        %select_n3A = arith.select %lt3A, %masked_sort3A_121, %masked_sort3A_105 : vector<16xi1>, vector<16xf32>
        %select_n3A_219 = arith.select %lt3A, %masked_sort3A_122, %masked_sort3A_106 : vector<16xi1>, vector<16xi32>
        %masked_sort3A_220 = arith.constant dense<true> : vector<16xi1>
        %masked_sort3A_221, %masked_sort3A_222, %masked_sort3A_223 = tpu.sort %select_n3A, %select_n3A_219 masked %masked_sort3A_220 : (vector<16xf32>, vector<16xi32>, vector<16xi1>) -> (vector<16xi1>, vector<16xf32>, vector<16xi32>)
        %lt3A_224 = arith.cmpf olt, %masked_sort3A_153, %masked_sort3A_137 : vector<16xf32>
        %select_n3A_225 = arith.select %lt3A_224, %masked_sort3A_153, %masked_sort3A_137 : vector<16xi1>, vector<16xf32>
        %select_n3A_226 = arith.select %lt3A_224, %masked_sort3A_154, %masked_sort3A_138 : vector<16xi1>, vector<16xi32>
        %masked_sort3A_227 = arith.constant dense<true> : vector<16xi1>
        %masked_sort3A_228, %masked_sort3A_229, %masked_sort3A_230 = tpu.sort %select_n3A_225, %select_n3A_226 masked %masked_sort3A_227 {descending = true} : (vector<16xf32>, vector<16xi32>, vector<16xi1>) -> (vector<16xi1>, vector<16xf32>, vector<16xi32>)
        %lt3A_231 = arith.cmpf olt, %masked_sort3A_185, %masked_sort3A_169 : vector<16xf32>
        %select_n3A_232 = arith.select %lt3A_231, %masked_sort3A_185, %masked_sort3A_169 : vector<16xi1>, vector<16xf32>
        %select_n3A_233 = arith.select %lt3A_231, %masked_sort3A_186, %masked_sort3A_170 : vector<16xi1>, vector<16xi32>
        %masked_sort3A_234 = arith.constant dense<true> : vector<16xi1>
        %masked_sort3A_235, %masked_sort3A_236, %masked_sort3A_237 = tpu.sort %select_n3A_232, %select_n3A_233 masked %masked_sort3A_234 : (vector<16xf32>, vector<16xi32>, vector<16xi1>) -> (vector<16xi1>, vector<16xf32>, vector<16xi32>)
        %lt3A_238 = arith.cmpf olt, %masked_sort3A_217, %masked_sort3A_201 : vector<16xf32>
        %select_n3A_239 = arith.select %lt3A_238, %masked_sort3A_217, %masked_sort3A_201 : vector<16xi1>, vector<16xf32>
        %select_n3A_240 = arith.select %lt3A_238, %masked_sort3A_218, %masked_sort3A_202 : vector<16xi1>, vector<16xi32>
        %masked_sort3A_241 = arith.constant dense<true> : vector<16xi1>
        %masked_sort3A_242, %masked_sort3A_243, %masked_sort3A_244 = tpu.sort %select_n3A_239, %select_n3A_240 masked %masked_sort3A_241 {descending = true} : (vector<16xf32>, vector<16xi32>, vector<16xi1>) -> (vector<16xi1>, vector<16xf32>, vector<16xi32>)
        %lt3A_245 = arith.cmpf olt, %masked_sort3A_229, %masked_sort3A_222 : vector<16xf32>
        %select_n3A_246 = arith.select %lt3A_245, %masked_sort3A_229, %masked_sort3A_222 : vector<16xi1>, vector<16xf32>
        %select_n3A_247 = arith.select %lt3A_245, %masked_sort3A_230, %masked_sort3A_223 : vector<16xi1>, vector<16xi32>
        %masked_sort3A_248 = arith.constant dense<true> : vector<16xi1>
        %masked_sort3A_249, %masked_sort3A_250, %masked_sort3A_251 = tpu.sort %select_n3A_246, %select_n3A_247 masked %masked_sort3A_248 : (vector<16xf32>, vector<16xi32>, vector<16xi1>) -> (vector<16xi1>, vector<16xf32>, vector<16xi32>)
        %lt3A_252 = arith.cmpf olt, %masked_sort3A_243, %masked_sort3A_236 : vector<16xf32>
        %select_n3A_253 = arith.select %lt3A_252, %masked_sort3A_243, %masked_sort3A_236 : vector<16xi1>, vector<16xf32>
        %select_n3A_254 = arith.select %lt3A_252, %masked_sort3A_244, %masked_sort3A_237 : vector<16xi1>, vector<16xi32>
        %masked_sort3A_255 = arith.constant dense<true> : vector<16xi1>
        %masked_sort3A_256, %masked_sort3A_257, %masked_sort3A_258 = tpu.sort %select_n3A_253, %select_n3A_254 masked %masked_sort3A_255 {descending = true} : (vector<16xf32>, vector<16xi32>, vector<16xi1>) -> (vector<16xi1>, vector<16xf32>, vector<16xi32>)
        %lt3A_259 = arith.cmpf olt, %masked_sort3A_257, %masked_sort3A_250 : vector<16xf32>
        %select_n3A_260 = arith.select %lt3A_259, %masked_sort3A_257, %masked_sort3A_250 : vector<16xi1>, vector<16xf32>
        %select_n3A_261 = arith.select %lt3A_259, %masked_sort3A_258, %masked_sort3A_251 : vector<16xi1>, vector<16xi32>
        %masked_sort3A_262 = arith.constant dense<true> : vector<16xi1>
        %masked_sort3A_263, %masked_sort3A_264, %masked_sort3A_265 = tpu.sort %select_n3A_260, %select_n3A_261 masked %masked_sort3A_262 {descending = true} : (vector<16xf32>, vector<16xi32>, vector<16xi1>) -> (vector<16xi1>, vector<16xf32>, vector<16xi32>)
        %lt3A_266 = arith.cmpf olt, %masked_sort3A_264, %scan3A_91 : vector<16xf32>
        %select_n3A_267 = arith.select %lt3A_266, %masked_sort3A_264, %scan3A_91 : vector<16xi1>, vector<16xf32>
        %select_n3A_268 = arith.select %lt3A_266, %masked_sort3A_265, %scan3A_92 : vector<16xi1>, vector<16xi32>
        %masked_sort3A_269 = arith.constant dense<true> : vector<16xi1>
        %masked_sort3A_270, %masked_sort3A_271, %masked_sort3A_272 = tpu.sort %select_n3A_267, %select_n3A_268 masked %masked_sort3A_269 : (vector<16xf32>, vector<16xi32>, vector<16xi1>) -> (vector<16xi1>, vector<16xf32>, vector<16xi32>)
        scf.yield %masked_sort3A_271, %masked_sort3A_272 : vector<16xf32>, vector<16xi32>
      }
      %scan3A_81 = arith.constant 16 : i32
      %swap3A_82 = arith.constant 0 : index
      %swap3A_83 = tpu.vector_load %arg7[%swap3A_82] {strides = array<i32>} : memref<16xi32, #tpu.memory_space<vmem>>, vector<16xi32>,
      tpu.vector_store %arg7[%swap3A_82], %scan3A_80#1 {strides = array<i32>} : memref<16xi32, #tpu.memory_space<vmem>>, vector<16xi32>,
      %swap3A_84 = arith.constant 0 : index
      %swap3A_85 = tpu.vector_load %arg8[%swap3A_84] {strides = array<i32>} : memref<16xf32, #tpu.memory_space<vmem>>, vector<16xf32>,
      tpu.vector_store %arg8[%swap3A_84], %scan3A_80#0 {strides = array<i32>} : memref<16xf32, #tpu.memory_space<vmem>>, vector<16xf32>,
      %sub3A_86 = arith.constant 0 : i32
      %sub3A_87 = arith.subi %add3A_71, %sub3A_86 : i32
      %mul3A_88 = arith.constant 16 : i32
      %mul3A_89 = arith.muli %sub3A_87, %mul3A_88 : i32
      "tpu.region"() ({
        %run_scoped3A = tpu.sem_alloc : memref<!tpu.dma_semaphore, #tpu.memory_space<semaphore_mem>>
        %dma_start3A_90 = tpu.memref_slice %arg3[%mul3A_89] : memref<32768xi32, #tpu.memory_space<hbm>> -> memref<16xi32, #tpu.memory_space<hbm>>
        %dma_start3A_91 = tpu.memref_slice %arg3[%mul3A_89] : memref<32768xi32, #tpu.memory_space<hbm>> -> memref<16xi32, #tpu.memory_space<hbm>>
        tpu.enqueue_dma source(%arg7 : memref<16xi32, #tpu.memory_space<vmem>>) target(%dma_start3A_91 : memref<16xi32, #tpu.memory_space<hbm>>) target_semaphore(%run_scoped3A : memref<!tpu.dma_semaphore, #tpu.memory_space<semaphore_mem>>)
        %dma_wait3A_92 = tpu.memref_slice %arg3[%mul3A_89] : memref<32768xi32, #tpu.memory_space<hbm>> -> memref<16xi32, #tpu.memory_space<hbm>>
        %dma_wait3A_93 = tpu.memref_slice %arg3[%mul3A_89] : memref<32768xi32, #tpu.memory_space<hbm>> -> memref<16xi32, #tpu.memory_space<hbm>>
        tpu.wait_dma2 semaphore(%run_scoped3A : memref<!tpu.dma_semaphore, #tpu.memory_space<semaphore_mem>>) src(%arg7 : memref<16xi32, #tpu.memory_space<vmem>>) dst(%dma_wait3A_93 : memref<16xi32, #tpu.memory_space<hbm>>)
        tpu.yield
      }) : () -> ()
      "tpu.region"() ({
        %run_scoped3A = tpu.sem_alloc : memref<!tpu.dma_semaphore, #tpu.memory_space<semaphore_mem>>
        %dma_start3A_90 = tpu.memref_slice %arg4[%mul3A_89] : memref<32768xf32, #tpu.memory_space<hbm>> -> memref<16xf32, #tpu.memory_space<hbm>>
        %dma_start3A_91 = tpu.memref_slice %arg4[%mul3A_89] : memref<32768xf32, #tpu.memory_space<hbm>> -> memref<16xf32, #tpu.memory_space<hbm>>
        tpu.enqueue_dma source(%arg8 : memref<16xf32, #tpu.memory_space<vmem>>) target(%dma_start3A_91 : memref<16xf32, #tpu.memory_space<hbm>>) target_semaphore(%run_scoped3A : memref<!tpu.dma_semaphore, #tpu.memory_space<semaphore_mem>>)
        %dma_wait3A_92 = tpu.memref_slice %arg4[%mul3A_89] : memref<32768xf32, #tpu.memory_space<hbm>> -> memref<16xf32, #tpu.memory_space<hbm>>
        %dma_wait3A_93 = tpu.memref_slice %arg4[%mul3A_89] : memref<32768xf32, #tpu.memory_space<hbm>> -> memref<16xf32, #tpu.memory_space<hbm>>
        tpu.wait_dma2 semaphore(%run_scoped3A : memref<!tpu.dma_semaphore, #tpu.memory_space<semaphore_mem>>) src(%arg8 : memref<16xf32, #tpu.memory_space<vmem>>) dst(%dma_wait3A_93 : memref<16xf32, #tpu.memory_space<hbm>>)
        tpu.yield
      }) : () -> ()
    }
    %scan3A_14 = arith.constant 32 : i32
    %dma_wait3A = arith.constant 0 : i32
    %dma_wait3A_15 = tpu.memref_slice %arg2[%add3A_4, %dma_wait3A] : memref<2048x2048xf32, #tpu.memory_space<hbm>> -> memref<1x2048xf32, #tpu.memory_space<hbm>>
    %dma_wait3A_16 = tpu.memref_squeeze %dma_wait3A_15 : memref<1x2048xf32, #tpu.memory_space<hbm>> -> memref<2048xf32, #tpu.memory_space<hbm>>
    %dma_wait3A_17 = arith.constant 0 : i32
    %dma_wait3A_18 = tpu.memref_slice %arg2[%add3A_4, %dma_wait3A_17] : memref<2048x2048xf32, #tpu.memory_space<hbm>> -> memref<1x2048xf32, #tpu.memory_space<hbm>>
    %dma_wait3A_19 = tpu.memref_squeeze %dma_wait3A_18 : memref<1x2048xf32, #tpu.memory_space<hbm>> -> memref<2048xf32, #tpu.memory_space<hbm>>
    tpu.wait_dma2 semaphore(%arg9 : memref<!tpu.dma_semaphore, #tpu.memory_space<semaphore_mem>>) src(%dma_wait3A_19 : memref<2048xf32, #tpu.memory_space<hbm>>) dst(%arg5 : memref<2048xf32, #tpu.memory_space<vmem>>)
    return
  }
}

module attributes {stable_mosaic.version = 14 : i64} {
  func.func @_pre_body(%arg0: i32, %arg1: memref<256x768xf32, #tpu.memory_space<vmem>>, %arg2: memref<768x2304xf32, #tpu.memory_space<vmem>>, %arg3: memref<1x2304xf32, #tpu.memory_space<vmem>>, %arg4: memref<1x768xf32, #tpu.memory_space<vmem>>, %arg5: memref<1x768xf32, #tpu.memory_space<vmem>>, %arg6: memref<256x16xf32, #tpu.memory_space<vmem>>, %arg7: memref<2048x16xf32, #tpu.memory_space<vmem>>, %arg8: memref<1x1xf32, #tpu.memory_space<vmem>>, %arg9: memref<256x2304xf32, #tpu.memory_space<vmem>>, %arg10: memref<256x2048xf32, #tpu.memory_space<vmem>>) attributes {dimension_semantics = [#tpu.dimension_semantics<arbitrary>], iteration_bounds = array<i64: 8>, scalar_prefetch = 0 : i64, scratch_operands = 0 : i64, tpu.core_type = #tpu.core_type<tc>, window_params = [{transform_indices = @transform_0, window_bounds = array<i64: 256, 768>}, {pipeline_mode = #tpu.pipeline_mode<synchronous>, transform_indices = @transform_1, window_bounds = array<i64: 768, 2304>}, {pipeline_mode = #tpu.pipeline_mode<synchronous>, transform_indices = @transform_2, window_bounds = array<i64: 1, 2304>}, {pipeline_mode = #tpu.pipeline_mode<synchronous>, transform_indices = @transform_3, window_bounds = array<i64: 1, 768>}, {pipeline_mode = #tpu.pipeline_mode<synchronous>, transform_indices = @transform_4, window_bounds = array<i64: 1, 768>}, {transform_indices = @transform_5, window_bounds = array<i64: 256, 16>}, {pipeline_mode = #tpu.pipeline_mode<synchronous>, transform_indices = @transform_6, window_bounds = array<i64: 2048, 16>}, {pipeline_mode = #tpu.pipeline_mode<synchronous>, transform_indices = @transform_7, window_bounds = array<i64: 1, 1>}, {transform_indices = @transform_8, window_bounds = array<i64: 256, 2304>}, {transform_indices = @transform_9, window_bounds = array<i64: 256, 2048>}]} {
    %get3A = arith.constant 0 : index
    %get3A_0 = arith.constant 0 : index
    %get3A_1 = vector.load %arg1[%get3A, %get3A_0] : memref<256x768xf32, #tpu.memory_space<vmem>>, vector<256x768xf32>
    %get3A_2 = arith.constant 0 : index
    %get3A_3 = arith.constant 0 : index
    %get3A_4 = vector.load %arg4[%get3A_2, %get3A_3] : memref<1x768xf32, #tpu.memory_space<vmem>>, vector<1x768xf32>
    %get3A_5 = arith.constant 0 : index
    %get3A_6 = arith.constant 0 : index
    %get3A_7 = vector.load %arg5[%get3A_5, %get3A_6] : memref<1x768xf32, #tpu.memory_space<vmem>>, vector<1x768xf32>
    %reduce_sum3A = arith.constant dense<0.000000e+00> : vector<256xf32>
    %reduce_sum3A_8 = vector.multi_reduction <add>, %get3A_1, %reduce_sum3A [1] : vector<256x768xf32> to vector<256xf32>
    %broadcast_in_dim3A = vector.shape_cast %reduce_sum3A_8 : vector<256xf32> to vector<256x1xf32>
    %div3A = arith.constant 7.680000e+02 : f32
    %div3A_9 = vector.broadcast %div3A : f32 to vector<256x1xf32>
    %div3A_10 = arith.divf %broadcast_in_dim3A, %div3A_9 : vector<256x1xf32>
    %sub3A = vector.broadcast %div3A_10 : vector<256x1xf32> to vector<256x768xf32>
    %sub3A_11 = arith.subf %get3A_1, %sub3A : vector<256x768xf32>
    %mul3A = arith.mulf %sub3A_11, %sub3A_11 : vector<256x768xf32>
    %reduce_sum3A_12 = arith.constant dense<0.000000e+00> : vector<256xf32>
    %reduce_sum3A_13 = vector.multi_reduction <add>, %mul3A, %reduce_sum3A_12 [1] : vector<256x768xf32> to vector<256xf32>
    %broadcast_in_dim3A_14 = vector.shape_cast %reduce_sum3A_13 : vector<256xf32> to vector<256x1xf32>
    %div3A_15 = arith.constant 7.680000e+02 : f32
    %div3A_16 = vector.broadcast %div3A_15 : f32 to vector<256x1xf32>
    %div3A_17 = arith.divf %broadcast_in_dim3A_14, %div3A_16 : vector<256x1xf32>
    %add3A = arith.constant 9.99999997E-7 : f32
    %add3A_18 = vector.broadcast %add3A : f32 to vector<256x1xf32>
    %add3A_19 = arith.addf %div3A_17, %add3A_18 : vector<256x1xf32>
    %sqrt3A = math.sqrt %add3A_19 : vector<256x1xf32>
    %div3A_20 = vector.broadcast %sqrt3A : vector<256x1xf32> to vector<256x768xf32>
    %div3A_21 = arith.divf %sub3A_11, %div3A_20 : vector<256x768xf32>
    %mul3A_22 = vector.broadcast %get3A_4 : vector<1x768xf32> to vector<256x768xf32>
    %mul3A_23 = arith.mulf %div3A_21, %mul3A_22 : vector<256x768xf32>
    %add3A_24 = vector.broadcast %get3A_7 : vector<1x768xf32> to vector<256x768xf32>
    %add3A_25 = arith.addf %mul3A_23, %add3A_24 : vector<256x768xf32>
    %get3A_26 = arith.constant 0 : index
    %get3A_27 = arith.constant 0 : index
    %get3A_28 = vector.load %arg2[%get3A_26, %get3A_27] : memref<768x2304xf32, #tpu.memory_space<vmem>>, vector<768x2304xf32>
    %dot_general3A = arith.constant dense<0.000000e+00> : vector<256x2304xf32>
    %dot_general3A_29 = tpu.matmul %add3A_25, %get3A_28, %dot_general3A {dimension_numbers = #tpu.dot_dimension_numbers<[1], [0], [0], [1], [0, 0, 1, 1], [], []>, transpose_lhs_hint = false} : vector<256x768xf32>, vector<768x2304xf32>, vector<256x2304xf32> -> vector<256x2304xf32>
    %get3A_30 = arith.constant 0 : index
    %get3A_31 = arith.constant 0 : index
    %get3A_32 = vector.load %arg3[%get3A_30, %get3A_31] : memref<1x2304xf32, #tpu.memory_space<vmem>>, vector<1x2304xf32>
    %add3A_33 = vector.broadcast %get3A_32 : vector<1x2304xf32> to vector<256x2304xf32>
    %add3A_34 = arith.addf %dot_general3A_29, %add3A_33 : vector<256x2304xf32>
    %swap3A = arith.constant 0 : index
    %swap3A_35 = arith.constant 0 : index
    %swap3A_36 = vector.load %arg9[%swap3A, %swap3A_35] : memref<256x2304xf32, #tpu.memory_space<vmem>>, vector<256x2304xf32>
    tpu.vector_store %arg9[%swap3A, %swap3A_35], %add3A_34 {strides = array<i32>} : memref<256x2304xf32, #tpu.memory_space<vmem>>, vector<256x2304xf32>,
    %get3A_37 = arith.constant 0 : index
    %get3A_38 = arith.constant 0 : index
    %get3A_39 = vector.load %arg8[%get3A_37, %get3A_38] : memref<1x1xf32, #tpu.memory_space<vmem>>, vector<1x1xf32>
    %get3A_40 = vector.extract %get3A_39[0, 0] : f32 from vector<1x1xf32>
    %get3A_41 = arith.constant 0 : index
    %get3A_42 = arith.constant 0 : index
    %get3A_43 = vector.load %arg6[%get3A_41, %get3A_42] : memref<256x16xf32, #tpu.memory_space<vmem>>, vector<256x16xf32>
    %get3A_44 = arith.constant 0 : index
    %get3A_45 = arith.constant 0 : index
    %get3A_46 = vector.load %arg7[%get3A_44, %get3A_45] : memref<2048x16xf32, #tpu.memory_space<vmem>>, vector<2048x16xf32>
    %mul3A_47 = arith.mulf %get3A_43, %get3A_43 : vector<256x16xf32>
    %reduce_sum3A_48 = arith.constant dense<0.000000e+00> : vector<256xf32>
    %reduce_sum3A_49 = vector.multi_reduction <add>, %mul3A_47, %reduce_sum3A_48 [1] : vector<256x16xf32> to vector<256xf32>
    %broadcast_in_dim3A_50 = vector.shape_cast %reduce_sum3A_49 : vector<256xf32> to vector<256x1xf32>
    %broadcast_in_dim3A_51 = arith.constant 1.000000e+00 : f32
    %broadcast_in_dim3A_52 = vector.broadcast %broadcast_in_dim3A_51 : f32 to vector<1x16xf32>
    %mul3A_53 = arith.mulf %get3A_46, %get3A_46 : vector<2048x16xf32>
    %dot_general3A_54 = arith.constant dense<0.000000e+00> : vector<1x2048xf32>
    %dot_general3A_55 = tpu.matmul %broadcast_in_dim3A_52, %mul3A_53, %dot_general3A_54 {dimension_numbers = #tpu.dot_dimension_numbers<[1], [1], [0], [0], [0, 0, 1, 0], [], []>, precision = #tpu.contract_precision<fp32>, transpose_lhs_hint = false} : vector<1x16xf32>, vector<2048x16xf32>, vector<1x2048xf32> -> vector<1x2048xf32>
    %dot_general3A_56 = arith.constant dense<0.000000e+00> : vector<256x2048xf32>
    %dot_general3A_57 = tpu.matmul %get3A_43, %get3A_46, %dot_general3A_56 {dimension_numbers = #tpu.dot_dimension_numbers<[1], [1], [0], [0], [0, 0, 1, 0], [], []>, precision = #tpu.contract_precision<fp32>, transpose_lhs_hint = false} : vector<256x16xf32>, vector<2048x16xf32>, vector<256x2048xf32> -> vector<256x2048xf32>
    %add3A_58 = vector.broadcast %broadcast_in_dim3A_50 : vector<256x1xf32> to vector<256x2048xf32>
    %add3A_59 = vector.broadcast %dot_general3A_55 : vector<1x2048xf32> to vector<256x2048xf32>
    %add3A_60 = arith.addf %add3A_58, %add3A_59 : vector<256x2048xf32>
    %mul3A_61 = arith.constant 2.000000e+00 : f32
    %mul3A_62 = vector.broadcast %mul3A_61 : f32 to vector<256x2048xf32>
    %mul3A_63 = arith.mulf %mul3A_62, %dot_general3A_57 : vector<256x2048xf32>
    %sub3A_64 = arith.subf %add3A_60, %mul3A_63 : vector<256x2048xf32>
    %max3A = arith.constant 0.000000e+00 : f32
    %max3A_65 = vector.broadcast %max3A : f32 to vector<256x2048xf32>
    %max3A_66 = arith.maximumf %sub3A_64, %max3A_65 : vector<256x2048xf32>
    %mul3A_67 = vector.broadcast %get3A_40 : f32 to vector<256x1xf32>
    %mul3A_68 = arith.mulf %mul3A_67, %broadcast_in_dim3A_50 : vector<256x1xf32>
    %sub3A_69 = arith.constant 1.000000e+00 : f32
    %sub3A_70 = vector.broadcast %sub3A_69 : f32 to vector<256x1xf32>
    %sub3A_71 = arith.subf %sub3A_70, %mul3A_68 : vector<256x1xf32>
    %mul3A_72 = vector.broadcast %get3A_40 : f32 to vector<1x2048xf32>
    %mul3A_73 = arith.mulf %mul3A_72, %dot_general3A_55 : vector<1x2048xf32>
    %sub3A_74 = arith.constant 1.000000e+00 : f32
    %sub3A_75 = vector.broadcast %sub3A_74 : f32 to vector<1x2048xf32>
    %sub3A_76 = arith.subf %sub3A_75, %mul3A_73 : vector<1x2048xf32>
    %mul3A_77 = vector.broadcast %sub3A_71 : vector<256x1xf32> to vector<256x2048xf32>
    %mul3A_78 = vector.broadcast %sub3A_76 : vector<1x2048xf32> to vector<256x2048xf32>
    %mul3A_79 = arith.mulf %mul3A_77, %mul3A_78 : vector<256x2048xf32>
    %max3A_80 = arith.constant 9.99999993E-9 : f32
    %max3A_81 = vector.broadcast %max3A_80 : f32 to vector<256x2048xf32>
    %max3A_82 = arith.maximumf %mul3A_79, %max3A_81 : vector<256x2048xf32>
    %mul3A_83 = arith.constant 2.000000e+00 : f32
    %mul3A_84 = arith.mulf %mul3A_83, %get3A_40 : f32
    %mul3A_85 = vector.broadcast %mul3A_84 : f32 to vector<256x2048xf32>
    %mul3A_86 = arith.mulf %mul3A_85, %max3A_66 : vector<256x2048xf32>
    %div3A_87 = arith.divf %mul3A_86, %max3A_82 : vector<256x2048xf32>
    %add3A_88 = arith.constant 1.000000e+00 : f32
    %add3A_89 = vector.broadcast %add3A_88 : f32 to vector<256x2048xf32>
    %add3A_90 = arith.addf %add3A_89, %div3A_87 : vector<256x2048xf32>
    %swap3A_91 = arith.constant 0 : index
    %swap3A_92 = arith.constant 0 : index
    %swap3A_93 = vector.load %arg10[%swap3A_91, %swap3A_92] : memref<256x2048xf32, #tpu.memory_space<vmem>>, vector<256x2048xf32>
    tpu.vector_store %arg10[%swap3A_91, %swap3A_92], %add3A_90 {strides = array<i32>} : memref<256x2048xf32, #tpu.memory_space<vmem>>, vector<256x2048xf32>,
    return
  }
  func.func @transform_0(%arg0: i32) -> (i32, i32) {
    %c0_i32 = arith.constant 0 : i32
    %c0_i32_0 = arith.constant 0 : i32
    return %arg0, %c0_i32 : i32, i32
  }
  func.func @transform_1(%arg0: i32) -> (i32, i32) {
    %c0_i32 = arith.constant 0 : i32
    %c0_i32_0 = arith.constant 0 : i32
    %c0_i32_1 = arith.constant 0 : i32
    return %c0_i32, %c0_i32_0 : i32, i32
  }
  func.func @transform_2(%arg0: i32) -> (i32, i32) {
    %c0_i32 = arith.constant 0 : i32
    %c0_i32_0 = arith.constant 0 : i32
    %c0_i32_1 = arith.constant 0 : i32
    return %c0_i32, %c0_i32_0 : i32, i32
  }
  func.func @transform_3(%arg0: i32) -> (i32, i32) {
    %c0_i32 = arith.constant 0 : i32
    %c0_i32_0 = arith.constant 0 : i32
    %c0_i32_1 = arith.constant 0 : i32
    return %c0_i32, %c0_i32_0 : i32, i32
  }
  func.func @transform_4(%arg0: i32) -> (i32, i32) {
    %c0_i32 = arith.constant 0 : i32
    %c0_i32_0 = arith.constant 0 : i32
    %c0_i32_1 = arith.constant 0 : i32
    return %c0_i32, %c0_i32_0 : i32, i32
  }
  func.func @transform_5(%arg0: i32) -> (i32, i32) {
    %c0_i32 = arith.constant 0 : i32
    %c0_i32_0 = arith.constant 0 : i32
    return %arg0, %c0_i32 : i32, i32
  }
  func.func @transform_6(%arg0: i32) -> (i32, i32) {
    %c0_i32 = arith.constant 0 : i32
    %c0_i32_0 = arith.constant 0 : i32
    %c0_i32_1 = arith.constant 0 : i32
    return %c0_i32, %c0_i32_0 : i32, i32
  }
  func.func @transform_7(%arg0: i32) -> (i32, i32) {
    %c0_i32 = arith.constant 0 : i32
    %c0_i32_0 = arith.constant 0 : i32
    %c0_i32_1 = arith.constant 0 : i32
    return %c0_i32, %c0_i32_0 : i32, i32
  }
  func.func @transform_8(%arg0: i32) -> (i32, i32) {
    %c0_i32 = arith.constant 0 : i32
    %c0_i32_0 = arith.constant 0 : i32
    return %arg0, %c0_i32 : i32, i32
  }
  func.func @transform_9(%arg0: i32) -> (i32, i32) {
    %c0_i32 = arith.constant 0 : i32
    %c0_i32_0 = arith.constant 0 : i32
    return %arg0, %c0_i32 : i32, i32
  }
}

module attributes {stable_mosaic.version = 14 : i64} {
  func.func @_attn_mlp_body(%arg0: i32, %arg1: memref<256x16xi32, #tpu.memory_space<vmem>>, %arg2: memref<256x16xf32, #tpu.memory_space<vmem>>, %arg3: memref<256x768xf32, #tpu.memory_space<vmem>>, %arg4: memref<2048x768xf32, #tpu.memory_space<vmem>>, %arg5: memref<2048x768xf32, #tpu.memory_space<vmem>>, %arg6: memref<256x768xf32, #tpu.memory_space<vmem>>, %arg7: memref<768x768xf32, #tpu.memory_space<vmem>>, %arg8: memref<1x768xf32, #tpu.memory_space<vmem>>, %arg9: memref<768x3072xf32, #tpu.memory_space<vmem>>, %arg10: memref<1x3072xf32, #tpu.memory_space<vmem>>, %arg11: memref<3072x768xf32, #tpu.memory_space<vmem>>, %arg12: memref<1x768xf32, #tpu.memory_space<vmem>>, %arg13: memref<1x768xf32, #tpu.memory_space<vmem>>, %arg14: memref<1x768xf32, #tpu.memory_space<vmem>>, %arg15: memref<1x1xf32, #tpu.memory_space<vmem>>, %arg16: memref<1x1xf32, #tpu.memory_space<vmem>>, %arg17: memref<1x1xf32, #tpu.memory_space<vmem>>, %arg18: memref<256x768xf32, #tpu.memory_space<vmem>>) attributes {dimension_semantics = [#tpu.dimension_semantics<arbitrary>], iteration_bounds = array<i64: 8>, scalar_prefetch = 0 : i64, scratch_operands = 0 : i64, tpu.core_type = #tpu.core_type<tc>, window_params = [{transform_indices = @transform_0, window_bounds = array<i64: 256, 16>}, {transform_indices = @transform_1, window_bounds = array<i64: 256, 16>}, {transform_indices = @transform_2, window_bounds = array<i64: 256, 768>}, {transform_indices = @transform_3, window_bounds = array<i64: 2048, 768>}, {transform_indices = @transform_4, window_bounds = array<i64: 2048, 768>}, {transform_indices = @transform_5, window_bounds = array<i64: 256, 768>}, {pipeline_mode = #tpu.pipeline_mode<synchronous>, transform_indices = @transform_6, window_bounds = array<i64: 768, 768>}, {pipeline_mode = #tpu.pipeline_mode<synchronous>, transform_indices = @transform_7, window_bounds = array<i64: 1, 768>}, {pipeline_mode = #tpu.pipeline_mode<synchronous>, transform_indices = @transform_8, window_bounds = array<i64: 768, 3072>}, {pipeline_mode = #tpu.pipeline_mode<synchronous>, transform_indices = @transform_9, window_bounds = array<i64: 1, 3072>}, {pipeline_mode = #tpu.pipeline_mode<synchronous>, transform_indices = @transform_10, window_bounds = array<i64: 3072, 768>}, {pipeline_mode = #tpu.pipeline_mode<synchronous>, transform_indices = @transform_11, window_bounds = array<i64: 1, 768>}, {pipeline_mode = #tpu.pipeline_mode<synchronous>, transform_indices = @transform_12, window_bounds = array<i64: 1, 768>}, {pipeline_mode = #tpu.pipeline_mode<synchronous>, transform_indices = @transform_13, window_bounds = array<i64: 1, 768>}, {pipeline_mode = #tpu.pipeline_mode<synchronous>, transform_indices = @transform_14, window_bounds = array<i64: 1, 1>}, {pipeline_mode = #tpu.pipeline_mode<synchronous>, transform_indices = @transform_15, window_bounds = array<i64: 1, 1>}, {pipeline_mode = #tpu.pipeline_mode<synchronous>, transform_indices = @transform_16, window_bounds = array<i64: 1, 1>}, {transform_indices = @transform_17, window_bounds = array<i64: 256, 768>}]} {
    %get3A = arith.constant 0 : index
    %get3A_0 = arith.constant 0 : index
    %get3A_1 = vector.load %arg15[%get3A, %get3A_0] : memref<1x1xf32, #tpu.memory_space<vmem>>, vector<1x1xf32>
    %get3A_2 = vector.extract %get3A_1[0, 0] : f32 from vector<1x1xf32>
    %get3A_3 = arith.constant 0 : index
    %get3A_4 = arith.constant 0 : index
    %get3A_5 = vector.load %arg16[%get3A_3, %get3A_4] : memref<1x1xf32, #tpu.memory_space<vmem>>, vector<1x1xf32>
    %get3A_6 = vector.extract %get3A_5[0, 0] : f32 from vector<1x1xf32>
    %exp3A = math.exp %get3A_6 : f32
    %max3A = arith.constant 9.99999993E-9 : f32
    %max3A_7 = arith.maximumf %exp3A, %max3A : f32
    %div3A = arith.constant 1.000000e+00 : f32
    %div3A_8 = arith.divf %div3A, %max3A_7 : f32
    %get3A_9 = arith.constant 0 : index
    %get3A_10 = arith.constant 0 : index
    %get3A_11 = vector.load %arg17[%get3A_9, %get3A_10] : memref<1x1xf32, #tpu.memory_space<vmem>>, vector<1x1xf32>
    %get3A_12 = vector.extract %get3A_11[0, 0] : f32 from vector<1x1xf32>
    %sqrt3A = math.sqrt %get3A_2 : f32
    %div3A_13 = arith.constant 1.000000e+00 : f32
    %div3A_14 = arith.divf %div3A_13, %sqrt3A : f32
    %get3A_15 = arith.constant 0 : index
    %get3A_16 = arith.constant 0 : index
    %get3A_17 = vector.load %arg2[%get3A_15, %get3A_16] : memref<256x16xf32, #tpu.memory_space<vmem>>, vector<256x16xf32>
    %max3A_18 = arith.constant 1.00000012 : f32
    %max3A_19 = vector.broadcast %max3A_18 : f32 to vector<256x16xf32>
    %max3A_20 = arith.maximumf %get3A_17, %max3A_19 : vector<256x16xf32>
    %sub3A = arith.constant 1.000000e+00 : f32
    %sub3A_21 = vector.broadcast %sub3A : f32 to vector<256x16xf32>
    %sub3A_22 = arith.subf %max3A_20, %sub3A_21 : vector<256x16xf32>
    %add3A = arith.constant 1.000000e+00 : f32
    %add3A_23 = vector.broadcast %add3A : f32 to vector<256x16xf32>
    %add3A_24 = arith.addf %max3A_20, %add3A_23 : vector<256x16xf32>
    %mul3A = arith.mulf %sub3A_22, %add3A_24 : vector<256x16xf32>
    %sqrt3A_25 = math.sqrt %mul3A : vector<256x16xf32>
    %add3A_26 = arith.addf %max3A_20, %sqrt3A_25 : vector<256x16xf32>
    %log3A = math.log %add3A_26 : vector<256x16xf32>
    %mul3A_27 = vector.broadcast %div3A_14 : f32 to vector<256x16xf32>
    %mul3A_28 = arith.mulf %log3A, %mul3A_27 : vector<256x16xf32>
    %neg3A = arith.constant 0.000000e+00 : f32
    %neg3A_29 = vector.broadcast %neg3A : f32 to vector<256x16xf32>
    %neg3A_30 = arith.subf %neg3A_29, %mul3A_28 : vector<256x16xf32>
    %mul3A_31 = vector.broadcast %div3A_8 : f32 to vector<256x16xf32>
    %mul3A_32 = arith.mulf %neg3A_30, %mul3A_31 : vector<256x16xf32>
    %get3A_33 = arith.constant 0 : index
    %get3A_34 = arith.constant 0 : index
    %get3A_35 = vector.load %arg1[%get3A_33, %get3A_34] : memref<256x16xi32, #tpu.memory_space<vmem>>, vector<256x16xi32>
    %iota3A = tpu.iota {dimensions = array<i32: 1>} : vector<256x2048xi32>
    %broadcast_in_dim3A = arith.constant 0.000000e+00 : f32
    %broadcast_in_dim3A_36 = vector.broadcast %broadcast_in_dim3A : f32 to vector<256x2048xf32>
    %slice3A = vector.extract_strided_slice %get3A_35 {offsets = [0, 0], sizes = [256, 1], strides = [1, 1]} : vector<256x16xi32> to vector<256x1xi32>
    %eq3A = vector.broadcast %slice3A : vector<256x1xi32> to vector<256x2048xi32>
    %eq3A_37 = arith.cmpi eq, %iota3A, %eq3A : vector<256x2048xi32>
    %slice3A_38 = vector.extract_strided_slice %mul3A_32 {offsets = [0, 0], sizes = [256, 1], strides = [1, 1]} : vector<256x16xf32> to vector<256x1xf32>
    %broadcast_in_dim3A_39 = vector.shape_cast %slice3A_38 : vector<256x1xf32> to vector<256x1xf32>
    %broadcast_in_dim3A_40 = vector.broadcast %broadcast_in_dim3A_39 : vector<256x1xf32> to vector<256x2048xf32>
    %select_n3A = arith.select %eq3A_37, %broadcast_in_dim3A_40, %broadcast_in_dim3A_36 : vector<256x2048xi1>, vector<256x2048xf32>
    %slice3A_41 = vector.extract_strided_slice %get3A_35 {offsets = [0, 1], sizes = [256, 1], strides = [1, 1]} : vector<256x16xi32> to vector<256x1xi32>
    %eq3A_42 = vector.broadcast %slice3A_41 : vector<256x1xi32> to vector<256x2048xi32>
    %eq3A_43 = arith.cmpi eq, %iota3A, %eq3A_42 : vector<256x2048xi32>
    %slice3A_44 = vector.extract_strided_slice %mul3A_32 {offsets = [0, 1], sizes = [256, 1], strides = [1, 1]} : vector<256x16xf32> to vector<256x1xf32>
    %broadcast_in_dim3A_45 = vector.shape_cast %slice3A_44 : vector<256x1xf32> to vector<256x1xf32>
    %broadcast_in_dim3A_46 = vector.broadcast %broadcast_in_dim3A_45 : vector<256x1xf32> to vector<256x2048xf32>
    %select_n3A_47 = arith.select %eq3A_43, %broadcast_in_dim3A_46, %select_n3A : vector<256x2048xi1>, vector<256x2048xf32>
    %slice3A_48 = vector.extract_strided_slice %get3A_35 {offsets = [0, 2], sizes = [256, 1], strides = [1, 1]} : vector<256x16xi32> to vector<256x1xi32>
    %eq3A_49 = vector.broadcast %slice3A_48 : vector<256x1xi32> to vector<256x2048xi32>
    %eq3A_50 = arith.cmpi eq, %iota3A, %eq3A_49 : vector<256x2048xi32>
    %slice3A_51 = vector.extract_strided_slice %mul3A_32 {offsets = [0, 2], sizes = [256, 1], strides = [1, 1]} : vector<256x16xf32> to vector<256x1xf32>
    %broadcast_in_dim3A_52 = vector.shape_cast %slice3A_51 : vector<256x1xf32> to vector<256x1xf32>
    %broadcast_in_dim3A_53 = vector.broadcast %broadcast_in_dim3A_52 : vector<256x1xf32> to vector<256x2048xf32>
    %select_n3A_54 = arith.select %eq3A_50, %broadcast_in_dim3A_53, %select_n3A_47 : vector<256x2048xi1>, vector<256x2048xf32>
    %slice3A_55 = vector.extract_strided_slice %get3A_35 {offsets = [0, 3], sizes = [256, 1], strides = [1, 1]} : vector<256x16xi32> to vector<256x1xi32>
    %eq3A_56 = vector.broadcast %slice3A_55 : vector<256x1xi32> to vector<256x2048xi32>
    %eq3A_57 = arith.cmpi eq, %iota3A, %eq3A_56 : vector<256x2048xi32>
    %slice3A_58 = vector.extract_strided_slice %mul3A_32 {offsets = [0, 3], sizes = [256, 1], strides = [1, 1]} : vector<256x16xf32> to vector<256x1xf32>
    %broadcast_in_dim3A_59 = vector.shape_cast %slice3A_58 : vector<256x1xf32> to vector<256x1xf32>
    %broadcast_in_dim3A_60 = vector.broadcast %broadcast_in_dim3A_59 : vector<256x1xf32> to vector<256x2048xf32>
    %select_n3A_61 = arith.select %eq3A_57, %broadcast_in_dim3A_60, %select_n3A_54 : vector<256x2048xi1>, vector<256x2048xf32>
    %slice3A_62 = vector.extract_strided_slice %get3A_35 {offsets = [0, 4], sizes = [256, 1], strides = [1, 1]} : vector<256x16xi32> to vector<256x1xi32>
    %eq3A_63 = vector.broadcast %slice3A_62 : vector<256x1xi32> to vector<256x2048xi32>
    %eq3A_64 = arith.cmpi eq, %iota3A, %eq3A_63 : vector<256x2048xi32>
    %slice3A_65 = vector.extract_strided_slice %mul3A_32 {offsets = [0, 4], sizes = [256, 1], strides = [1, 1]} : vector<256x16xf32> to vector<256x1xf32>
    %broadcast_in_dim3A_66 = vector.shape_cast %slice3A_65 : vector<256x1xf32> to vector<256x1xf32>
    %broadcast_in_dim3A_67 = vector.broadcast %broadcast_in_dim3A_66 : vector<256x1xf32> to vector<256x2048xf32>
    %select_n3A_68 = arith.select %eq3A_64, %broadcast_in_dim3A_67, %select_n3A_61 : vector<256x2048xi1>, vector<256x2048xf32>
    %slice3A_69 = vector.extract_strided_slice %get3A_35 {offsets = [0, 5], sizes = [256, 1], strides = [1, 1]} : vector<256x16xi32> to vector<256x1xi32>
    %eq3A_70 = vector.broadcast %slice3A_69 : vector<256x1xi32> to vector<256x2048xi32>
    %eq3A_71 = arith.cmpi eq, %iota3A, %eq3A_70 : vector<256x2048xi32>
    %slice3A_72 = vector.extract_strided_slice %mul3A_32 {offsets = [0, 5], sizes = [256, 1], strides = [1, 1]} : vector<256x16xf32> to vector<256x1xf32>
    %broadcast_in_dim3A_73 = vector.shape_cast %slice3A_72 : vector<256x1xf32> to vector<256x1xf32>
    %broadcast_in_dim3A_74 = vector.broadcast %broadcast_in_dim3A_73 : vector<256x1xf32> to vector<256x2048xf32>
    %select_n3A_75 = arith.select %eq3A_71, %broadcast_in_dim3A_74, %select_n3A_68 : vector<256x2048xi1>, vector<256x2048xf32>
    %slice3A_76 = vector.extract_strided_slice %get3A_35 {offsets = [0, 6], sizes = [256, 1], strides = [1, 1]} : vector<256x16xi32> to vector<256x1xi32>
    %eq3A_77 = vector.broadcast %slice3A_76 : vector<256x1xi32> to vector<256x2048xi32>
    %eq3A_78 = arith.cmpi eq, %iota3A, %eq3A_77 : vector<256x2048xi32>
    %slice3A_79 = vector.extract_strided_slice %mul3A_32 {offsets = [0, 6], sizes = [256, 1], strides = [1, 1]} : vector<256x16xf32> to vector<256x1xf32>
    %broadcast_in_dim3A_80 = vector.shape_cast %slice3A_79 : vector<256x1xf32> to vector<256x1xf32>
    %broadcast_in_dim3A_81 = vector.broadcast %broadcast_in_dim3A_80 : vector<256x1xf32> to vector<256x2048xf32>
    %select_n3A_82 = arith.select %eq3A_78, %broadcast_in_dim3A_81, %select_n3A_75 : vector<256x2048xi1>, vector<256x2048xf32>
    %slice3A_83 = vector.extract_strided_slice %get3A_35 {offsets = [0, 7], sizes = [256, 1], strides = [1, 1]} : vector<256x16xi32> to vector<256x1xi32>
    %eq3A_84 = vector.broadcast %slice3A_83 : vector<256x1xi32> to vector<256x2048xi32>
    %eq3A_85 = arith.cmpi eq, %iota3A, %eq3A_84 : vector<256x2048xi32>
    %slice3A_86 = vector.extract_strided_slice %mul3A_32 {offsets = [0, 7], sizes = [256, 1], strides = [1, 1]} : vector<256x16xf32> to vector<256x1xf32>
    %broadcast_in_dim3A_87 = vector.shape_cast %slice3A_86 : vector<256x1xf32> to vector<256x1xf32>
    %broadcast_in_dim3A_88 = vector.broadcast %broadcast_in_dim3A_87 : vector<256x1xf32> to vector<256x2048xf32>
    %select_n3A_89 = arith.select %eq3A_85, %broadcast_in_dim3A_88, %select_n3A_82 : vector<256x2048xi1>, vector<256x2048xf32>
    %slice3A_90 = vector.extract_strided_slice %get3A_35 {offsets = [0, 8], sizes = [256, 1], strides = [1, 1]} : vector<256x16xi32> to vector<256x1xi32>
    %eq3A_91 = vector.broadcast %slice3A_90 : vector<256x1xi32> to vector<256x2048xi32>
    %eq3A_92 = arith.cmpi eq, %iota3A, %eq3A_91 : vector<256x2048xi32>
    %slice3A_93 = vector.extract_strided_slice %mul3A_32 {offsets = [0, 8], sizes = [256, 1], strides = [1, 1]} : vector<256x16xf32> to vector<256x1xf32>
    %broadcast_in_dim3A_94 = vector.shape_cast %slice3A_93 : vector<256x1xf32> to vector<256x1xf32>
    %broadcast_in_dim3A_95 = vector.broadcast %broadcast_in_dim3A_94 : vector<256x1xf32> to vector<256x2048xf32>
    %select_n3A_96 = arith.select %eq3A_92, %broadcast_in_dim3A_95, %select_n3A_89 : vector<256x2048xi1>, vector<256x2048xf32>
    %slice3A_97 = vector.extract_strided_slice %get3A_35 {offsets = [0, 9], sizes = [256, 1], strides = [1, 1]} : vector<256x16xi32> to vector<256x1xi32>
    %eq3A_98 = vector.broadcast %slice3A_97 : vector<256x1xi32> to vector<256x2048xi32>
    %eq3A_99 = arith.cmpi eq, %iota3A, %eq3A_98 : vector<256x2048xi32>
    %slice3A_100 = vector.extract_strided_slice %mul3A_32 {offsets = [0, 9], sizes = [256, 1], strides = [1, 1]} : vector<256x16xf32> to vector<256x1xf32>
    %broadcast_in_dim3A_101 = vector.shape_cast %slice3A_100 : vector<256x1xf32> to vector<256x1xf32>
    %broadcast_in_dim3A_102 = vector.broadcast %broadcast_in_dim3A_101 : vector<256x1xf32> to vector<256x2048xf32>
    %select_n3A_103 = arith.select %eq3A_99, %broadcast_in_dim3A_102, %select_n3A_96 : vector<256x2048xi1>, vector<256x2048xf32>
    %slice3A_104 = vector.extract_strided_slice %get3A_35 {offsets = [0, 10], sizes = [256, 1], strides = [1, 1]} : vector<256x16xi32> to vector<256x1xi32>
    %eq3A_105 = vector.broadcast %slice3A_104 : vector<256x1xi32> to vector<256x2048xi32>
    %eq3A_106 = arith.cmpi eq, %iota3A, %eq3A_105 : vector<256x2048xi32>
    %slice3A_107 = vector.extract_strided_slice %mul3A_32 {offsets = [0, 10], sizes = [256, 1], strides = [1, 1]} : vector<256x16xf32> to vector<256x1xf32>
    %broadcast_in_dim3A_108 = vector.shape_cast %slice3A_107 : vector<256x1xf32> to vector<256x1xf32>
    %broadcast_in_dim3A_109 = vector.broadcast %broadcast_in_dim3A_108 : vector<256x1xf32> to vector<256x2048xf32>
    %select_n3A_110 = arith.select %eq3A_106, %broadcast_in_dim3A_109, %select_n3A_103 : vector<256x2048xi1>, vector<256x2048xf32>
    %slice3A_111 = vector.extract_strided_slice %get3A_35 {offsets = [0, 11], sizes = [256, 1], strides = [1, 1]} : vector<256x16xi32> to vector<256x1xi32>
    %eq3A_112 = vector.broadcast %slice3A_111 : vector<256x1xi32> to vector<256x2048xi32>
    %eq3A_113 = arith.cmpi eq, %iota3A, %eq3A_112 : vector<256x2048xi32>
    %slice3A_114 = vector.extract_strided_slice %mul3A_32 {offsets = [0, 11], sizes = [256, 1], strides = [1, 1]} : vector<256x16xf32> to vector<256x1xf32>
    %broadcast_in_dim3A_115 = vector.shape_cast %slice3A_114 : vector<256x1xf32> to vector<256x1xf32>
    %broadcast_in_dim3A_116 = vector.broadcast %broadcast_in_dim3A_115 : vector<256x1xf32> to vector<256x2048xf32>
    %select_n3A_117 = arith.select %eq3A_113, %broadcast_in_dim3A_116, %select_n3A_110 : vector<256x2048xi1>, vector<256x2048xf32>
    %slice3A_118 = vector.extract_strided_slice %get3A_35 {offsets = [0, 12], sizes = [256, 1], strides = [1, 1]} : vector<256x16xi32> to vector<256x1xi32>
    %eq3A_119 = vector.broadcast %slice3A_118 : vector<256x1xi32> to vector<256x2048xi32>
    %eq3A_120 = arith.cmpi eq, %iota3A, %eq3A_119 : vector<256x2048xi32>
    %slice3A_121 = vector.extract_strided_slice %mul3A_32 {offsets = [0, 12], sizes = [256, 1], strides = [1, 1]} : vector<256x16xf32> to vector<256x1xf32>
    %broadcast_in_dim3A_122 = vector.shape_cast %slice3A_121 : vector<256x1xf32> to vector<256x1xf32>
    %broadcast_in_dim3A_123 = vector.broadcast %broadcast_in_dim3A_122 : vector<256x1xf32> to vector<256x2048xf32>
    %select_n3A_124 = arith.select %eq3A_120, %broadcast_in_dim3A_123, %select_n3A_117 : vector<256x2048xi1>, vector<256x2048xf32>
    %slice3A_125 = vector.extract_strided_slice %get3A_35 {offsets = [0, 13], sizes = [256, 1], strides = [1, 1]} : vector<256x16xi32> to vector<256x1xi32>
    %eq3A_126 = vector.broadcast %slice3A_125 : vector<256x1xi32> to vector<256x2048xi32>
    %eq3A_127 = arith.cmpi eq, %iota3A, %eq3A_126 : vector<256x2048xi32>
    %slice3A_128 = vector.extract_strided_slice %mul3A_32 {offsets = [0, 13], sizes = [256, 1], strides = [1, 1]} : vector<256x16xf32> to vector<256x1xf32>
    %broadcast_in_dim3A_129 = vector.shape_cast %slice3A_128 : vector<256x1xf32> to vector<256x1xf32>
    %broadcast_in_dim3A_130 = vector.broadcast %broadcast_in_dim3A_129 : vector<256x1xf32> to vector<256x2048xf32>
    %select_n3A_131 = arith.select %eq3A_127, %broadcast_in_dim3A_130, %select_n3A_124 : vector<256x2048xi1>, vector<256x2048xf32>
    %slice3A_132 = vector.extract_strided_slice %get3A_35 {offsets = [0, 14], sizes = [256, 1], strides = [1, 1]} : vector<256x16xi32> to vector<256x1xi32>
    %eq3A_133 = vector.broadcast %slice3A_132 : vector<256x1xi32> to vector<256x2048xi32>
    %eq3A_134 = arith.cmpi eq, %iota3A, %eq3A_133 : vector<256x2048xi32>
    %slice3A_135 = vector.extract_strided_slice %mul3A_32 {offsets = [0, 14], sizes = [256, 1], strides = [1, 1]} : vector<256x16xf32> to vector<256x1xf32>
    %broadcast_in_dim3A_136 = vector.shape_cast %slice3A_135 : vector<256x1xf32> to vector<256x1xf32>
    %broadcast_in_dim3A_137 = vector.broadcast %broadcast_in_dim3A_136 : vector<256x1xf32> to vector<256x2048xf32>
    %select_n3A_138 = arith.select %eq3A_134, %broadcast_in_dim3A_137, %select_n3A_131 : vector<256x2048xi1>, vector<256x2048xf32>
    %slice3A_139 = vector.extract_strided_slice %get3A_35 {offsets = [0, 15], sizes = [256, 1], strides = [1, 1]} : vector<256x16xi32> to vector<256x1xi32>
    %eq3A_140 = vector.broadcast %slice3A_139 : vector<256x1xi32> to vector<256x2048xi32>
    %eq3A_141 = arith.cmpi eq, %iota3A, %eq3A_140 : vector<256x2048xi32>
    %slice3A_142 = vector.extract_strided_slice %mul3A_32 {offsets = [0, 15], sizes = [256, 1], strides = [1, 1]} : vector<256x16xf32> to vector<256x1xf32>
    %broadcast_in_dim3A_143 = vector.shape_cast %slice3A_142 : vector<256x1xf32> to vector<256x1xf32>
    %broadcast_in_dim3A_144 = vector.broadcast %broadcast_in_dim3A_143 : vector<256x1xf32> to vector<256x2048xf32>
    %select_n3A_145 = arith.select %eq3A_141, %broadcast_in_dim3A_144, %select_n3A_138 : vector<256x2048xi1>, vector<256x2048xf32>
    %lt3A = arith.constant 0.000000e+00 : f32
    %lt3A_146 = vector.broadcast %lt3A : f32 to vector<256x2048xf32>
    %lt3A_147 = arith.cmpf olt, %select_n3A_145, %lt3A_146 : vector<256x2048xf32>
    %broadcast_in_dim3A_148 = arith.constant 1.000000e+00 : f32
    %broadcast_in_dim3A_149 = vector.broadcast %broadcast_in_dim3A_148 : f32 to vector<2048x8xf32>
    %get3A_150 = arith.constant 0 : index
    %get3A_151 = arith.constant 0 : index
    %get3A_152 = vector.load %arg6[%get3A_150, %get3A_151] : memref<256x768xf32, #tpu.memory_space<vmem>>, vector<256x768xf32>
    %get3A_153 = arith.constant 0 : index
    %get3A_154 = arith.constant 0 : index
    %get3A_155 = vector.load %arg8[%get3A_153, %get3A_154] : memref<1x768xf32, #tpu.memory_space<vmem>>, vector<1x768xf32>
    %add3A_156 = vector.broadcast %get3A_155 : vector<1x768xf32> to vector<256x768xf32>
    %add3A_157 = arith.addf %get3A_152, %add3A_156 : vector<256x768xf32>
    %get3A_158 = arith.constant 0 : index
    %get3A_159 = arith.constant 0 : index
    %get3A_160 = vector.load %arg3[%get3A_158, %get3A_159] : memref<256x768xf32, #tpu.memory_space<vmem>>, vector<256x64xf32>
    %get3A_161 = arith.constant 0 : index
    %get3A_162 = arith.constant 0 : index
    %get3A_163 = vector.load %arg4[%get3A_161, %get3A_162] : memref<2048x768xf32, #tpu.memory_space<vmem>>, vector<2048x64xf32>
    %get3A_164 = arith.constant 0 : index
    %get3A_165 = arith.constant 0 : index
    %get3A_166 = vector.load %arg5[%get3A_164, %get3A_165] : memref<2048x768xf32, #tpu.memory_space<vmem>>, vector<2048x64xf32>
    %dot_general3A = arith.constant dense<0.000000e+00> : vector<256x2048xf32>
    %dot_general3A_167 = tpu.matmul %get3A_160, %get3A_163, %dot_general3A {dimension_numbers = #tpu.dot_dimension_numbers<[1], [1], [0], [0], [0, 0, 1, 0], [], []>, transpose_lhs_hint = false} : vector<256x64xf32>, vector<2048x64xf32>, vector<256x2048xf32> -> vector<256x2048xf32>
    %mul3A_168 = arith.constant 1.250000e-01 : f32
    %mul3A_169 = vector.broadcast %mul3A_168 : f32 to vector<256x2048xf32>
    %mul3A_170 = arith.mulf %dot_general3A_167, %mul3A_169 : vector<256x2048xf32>
    %add3A_171 = arith.addf %mul3A_170, %select_n3A_145 : vector<256x2048xf32>
    %tanh3A = math.tanh %add3A_171 : vector<256x2048xf32>
    %mul3A_172 = vector.broadcast %get3A_12 : f32 to vector<256x2048xf32>
    %mul3A_173 = arith.mulf %mul3A_172, %tanh3A : vector<256x2048xf32>
    %exp3A_174 = math.exp %mul3A_173 : vector<256x2048xf32>
    %jit3A = arith.constant 0.000000e+00 : f32
    %broadcast_in_dim3A_175 = vector.broadcast %jit3A : f32 to vector<256x2048xf32>
    %select_n3A_176 = arith.select %lt3A_147, %exp3A_174, %broadcast_in_dim3A_175 : vector<256x2048xi1>, vector<256x2048xf32>
    %dot_general3A_177 = arith.constant dense<0.000000e+00> : vector<256x8xf32>
    %dot_general3A_178 = tpu.matmul %select_n3A_176, %broadcast_in_dim3A_149, %dot_general3A_177 {dimension_numbers = #tpu.dot_dimension_numbers<[1], [0], [0], [1], [0, 0, 1, 1], [], []>, transpose_lhs_hint = false} : vector<256x2048xf32>, vector<2048x8xf32>, vector<256x8xf32> -> vector<256x8xf32>
    %dot_general3A_179 = arith.constant dense<0.000000e+00> : vector<256x64xf32>
    %dot_general3A_180 = tpu.matmul %select_n3A_176, %get3A_166, %dot_general3A_179 {dimension_numbers = #tpu.dot_dimension_numbers<[1], [0], [0], [1], [0, 0, 1, 1], [], []>, transpose_lhs_hint = false} : vector<256x2048xf32>, vector<2048x64xf32>, vector<256x64xf32> -> vector<256x64xf32>
    %slice3A_181 = vector.extract_strided_slice %dot_general3A_178 {offsets = [0, 0], sizes = [256, 1], strides = [1, 1]} : vector<256x8xf32> to vector<256x1xf32>
    %div3A_182 = arith.constant 1.000000e+00 : f32
    %div3A_183 = vector.broadcast %div3A_182 : f32 to vector<256x1xf32>
    %div3A_184 = arith.divf %div3A_183, %slice3A_181 : vector<256x1xf32>
    %mul3A_185 = vector.broadcast %div3A_184 : vector<256x1xf32> to vector<256x64xf32>
    %mul3A_186 = arith.mulf %dot_general3A_180, %mul3A_185 : vector<256x64xf32>
    %get3A_187 = arith.constant 0 : index
    %get3A_188 = arith.constant 0 : index
    %get3A_189 = vector.load %arg7[%get3A_187, %get3A_188] : memref<768x768xf32, #tpu.memory_space<vmem>>, vector<64x768xf32>
    %dot_general3A_190 = arith.constant dense<0.000000e+00> : vector<256x768xf32>
    %dot_general3A_191 = tpu.matmul %mul3A_186, %get3A_189, %dot_general3A_190 {dimension_numbers = #tpu.dot_dimension_numbers<[1], [0], [0], [1], [0, 0, 1, 1], [], []>, transpose_lhs_hint = false} : vector<256x64xf32>, vector<64x768xf32>, vector<256x768xf32> -> vector<256x768xf32>
    %add3A_192 = arith.addf %add3A_157, %dot_general3A_191 : vector<256x768xf32>
    %get3A_193 = arith.constant 0 : index
    %get3A_194 = arith.constant 64 : index
    %get3A_195 = vector.load %arg3[%get3A_193, %get3A_194] : memref<256x768xf32, #tpu.memory_space<vmem>>, vector<256x64xf32>
    %get3A_196 = arith.constant 0 : index
    %get3A_197 = arith.constant 64 : index
    %get3A_198 = vector.load %arg4[%get3A_196, %get3A_197] : memref<2048x768xf32, #tpu.memory_space<vmem>>, vector<2048x64xf32>
    %get3A_199 = arith.constant 0 : index
    %get3A_200 = arith.constant 64 : index
    %get3A_201 = vector.load %arg5[%get3A_199, %get3A_200] : memref<2048x768xf32, #tpu.memory_space<vmem>>, vector<2048x64xf32>
    %dot_general3A_202 = arith.constant dense<0.000000e+00> : vector<256x2048xf32>
    %dot_general3A_203 = tpu.matmul %get3A_195, %get3A_198, %dot_general3A_202 {dimension_numbers = #tpu.dot_dimension_numbers<[1], [1], [0], [0], [0, 0, 1, 0], [], []>, transpose_lhs_hint = false} : vector<256x64xf32>, vector<2048x64xf32>, vector<256x2048xf32> -> vector<256x2048xf32>
    %mul3A_204 = arith.constant 1.250000e-01 : f32
    %mul3A_205 = vector.broadcast %mul3A_204 : f32 to vector<256x2048xf32>
    %mul3A_206 = arith.mulf %dot_general3A_203, %mul3A_205 : vector<256x2048xf32>
    %add3A_207 = arith.addf %mul3A_206, %select_n3A_145 : vector<256x2048xf32>
    %tanh3A_208 = math.tanh %add3A_207 : vector<256x2048xf32>
    %mul3A_209 = vector.broadcast %get3A_12 : f32 to vector<256x2048xf32>
    %mul3A_210 = arith.mulf %mul3A_209, %tanh3A_208 : vector<256x2048xf32>
    %exp3A_211 = math.exp %mul3A_210 : vector<256x2048xf32>
    %jit3A_212 = arith.constant 0.000000e+00 : f32
    %broadcast_in_dim3A_213 = vector.broadcast %jit3A_212 : f32 to vector<256x2048xf32>
    %select_n3A_214 = arith.select %lt3A_147, %exp3A_211, %broadcast_in_dim3A_213 : vector<256x2048xi1>, vector<256x2048xf32>
    %dot_general3A_215 = arith.constant dense<0.000000e+00> : vector<256x8xf32>
    %dot_general3A_216 = tpu.matmul %select_n3A_214, %broadcast_in_dim3A_149, %dot_general3A_215 {dimension_numbers = #tpu.dot_dimension_numbers<[1], [0], [0], [1], [0, 0, 1, 1], [], []>, transpose_lhs_hint = false} : vector<256x2048xf32>, vector<2048x8xf32>, vector<256x8xf32> -> vector<256x8xf32>
    %dot_general3A_217 = arith.constant dense<0.000000e+00> : vector<256x64xf32>
    %dot_general3A_218 = tpu.matmul %select_n3A_214, %get3A_201, %dot_general3A_217 {dimension_numbers = #tpu.dot_dimension_numbers<[1], [0], [0], [1], [0, 0, 1, 1], [], []>, transpose_lhs_hint = false} : vector<256x2048xf32>, vector<2048x64xf32>, vector<256x64xf32> -> vector<256x64xf32>
    %slice3A_219 = vector.extract_strided_slice %dot_general3A_216 {offsets = [0, 0], sizes = [256, 1], strides = [1, 1]} : vector<256x8xf32> to vector<256x1xf32>
    %div3A_220 = arith.constant 1.000000e+00 : f32
    %div3A_221 = vector.broadcast %div3A_220 : f32 to vector<256x1xf32>
    %div3A_222 = arith.divf %div3A_221, %slice3A_219 : vector<256x1xf32>
    %mul3A_223 = vector.broadcast %div3A_222 : vector<256x1xf32> to vector<256x64xf32>
    %mul3A_224 = arith.mulf %dot_general3A_218, %mul3A_223 : vector<256x64xf32>
    %get3A_225 = arith.constant 64 : index
    %get3A_226 = arith.constant 0 : index
    %get3A_227 = vector.load %arg7[%get3A_225, %get3A_226] : memref<768x768xf32, #tpu.memory_space<vmem>>, vector<64x768xf32>
    %dot_general3A_228 = arith.constant dense<0.000000e+00> : vector<256x768xf32>
    %dot_general3A_229 = tpu.matmul %mul3A_224, %get3A_227, %dot_general3A_228 {dimension_numbers = #tpu.dot_dimension_numbers<[1], [0], [0], [1], [0, 0, 1, 1], [], []>, transpose_lhs_hint = false} : vector<256x64xf32>, vector<64x768xf32>, vector<256x768xf32> -> vector<256x768xf32>
    %add3A_230 = arith.addf %add3A_192, %dot_general3A_229 : vector<256x768xf32>
    %get3A_231 = arith.constant 0 : index
    %get3A_232 = arith.constant 128 : index
    %get3A_233 = vector.load %arg3[%get3A_231, %get3A_232] : memref<256x768xf32, #tpu.memory_space<vmem>>, vector<256x64xf32>
    %get3A_234 = arith.constant 0 : index
    %get3A_235 = arith.constant 128 : index
    %get3A_236 = vector.load %arg4[%get3A_234, %get3A_235] : memref<2048x768xf32, #tpu.memory_space<vmem>>, vector<2048x64xf32>
    %get3A_237 = arith.constant 0 : index
    %get3A_238 = arith.constant 128 : index
    %get3A_239 = vector.load %arg5[%get3A_237, %get3A_238] : memref<2048x768xf32, #tpu.memory_space<vmem>>, vector<2048x64xf32>
    %dot_general3A_240 = arith.constant dense<0.000000e+00> : vector<256x2048xf32>
    %dot_general3A_241 = tpu.matmul %get3A_233, %get3A_236, %dot_general3A_240 {dimension_numbers = #tpu.dot_dimension_numbers<[1], [1], [0], [0], [0, 0, 1, 0], [], []>, transpose_lhs_hint = false} : vector<256x64xf32>, vector<2048x64xf32>, vector<256x2048xf32> -> vector<256x2048xf32>
    %mul3A_242 = arith.constant 1.250000e-01 : f32
    %mul3A_243 = vector.broadcast %mul3A_242 : f32 to vector<256x2048xf32>
    %mul3A_244 = arith.mulf %dot_general3A_241, %mul3A_243 : vector<256x2048xf32>
    %add3A_245 = arith.addf %mul3A_244, %select_n3A_145 : vector<256x2048xf32>
    %tanh3A_246 = math.tanh %add3A_245 : vector<256x2048xf32>
    %mul3A_247 = vector.broadcast %get3A_12 : f32 to vector<256x2048xf32>
    %mul3A_248 = arith.mulf %mul3A_247, %tanh3A_246 : vector<256x2048xf32>
    %exp3A_249 = math.exp %mul3A_248 : vector<256x2048xf32>
    %jit3A_250 = arith.constant 0.000000e+00 : f32
    %broadcast_in_dim3A_251 = vector.broadcast %jit3A_250 : f32 to vector<256x2048xf32>
    %select_n3A_252 = arith.select %lt3A_147, %exp3A_249, %broadcast_in_dim3A_251 : vector<256x2048xi1>, vector<256x2048xf32>
    %dot_general3A_253 = arith.constant dense<0.000000e+00> : vector<256x8xf32>
    %dot_general3A_254 = tpu.matmul %select_n3A_252, %broadcast_in_dim3A_149, %dot_general3A_253 {dimension_numbers = #tpu.dot_dimension_numbers<[1], [0], [0], [1], [0, 0, 1, 1], [], []>, transpose_lhs_hint = false} : vector<256x2048xf32>, vector<2048x8xf32>, vector<256x8xf32> -> vector<256x8xf32>
    %dot_general3A_255 = arith.constant dense<0.000000e+00> : vector<256x64xf32>
    %dot_general3A_256 = tpu.matmul %select_n3A_252, %get3A_239, %dot_general3A_255 {dimension_numbers = #tpu.dot_dimension_numbers<[1], [0], [0], [1], [0, 0, 1, 1], [], []>, transpose_lhs_hint = false} : vector<256x2048xf32>, vector<2048x64xf32>, vector<256x64xf32> -> vector<256x64xf32>
    %slice3A_257 = vector.extract_strided_slice %dot_general3A_254 {offsets = [0, 0], sizes = [256, 1], strides = [1, 1]} : vector<256x8xf32> to vector<256x1xf32>
    %div3A_258 = arith.constant 1.000000e+00 : f32
    %div3A_259 = vector.broadcast %div3A_258 : f32 to vector<256x1xf32>
    %div3A_260 = arith.divf %div3A_259, %slice3A_257 : vector<256x1xf32>
    %mul3A_261 = vector.broadcast %div3A_260 : vector<256x1xf32> to vector<256x64xf32>
    %mul3A_262 = arith.mulf %dot_general3A_256, %mul3A_261 : vector<256x64xf32>
    %get3A_263 = arith.constant 128 : index
    %get3A_264 = arith.constant 0 : index
    %get3A_265 = vector.load %arg7[%get3A_263, %get3A_264] : memref<768x768xf32, #tpu.memory_space<vmem>>, vector<64x768xf32>
    %dot_general3A_266 = arith.constant dense<0.000000e+00> : vector<256x768xf32>
    %dot_general3A_267 = tpu.matmul %mul3A_262, %get3A_265, %dot_general3A_266 {dimension_numbers = #tpu.dot_dimension_numbers<[1], [0], [0], [1], [0, 0, 1, 1], [], []>, transpose_lhs_hint = false} : vector<256x64xf32>, vector<64x768xf32>, vector<256x768xf32> -> vector<256x768xf32>
    %add3A_268 = arith.addf %add3A_230, %dot_general3A_267 : vector<256x768xf32>
    %get3A_269 = arith.constant 0 : index
    %get3A_270 = arith.constant 192 : index
    %get3A_271 = vector.load %arg3[%get3A_269, %get3A_270] : memref<256x768xf32, #tpu.memory_space<vmem>>, vector<256x64xf32>
    %get3A_272 = arith.constant 0 : index
    %get3A_273 = arith.constant 192 : index
    %get3A_274 = vector.load %arg4[%get3A_272, %get3A_273] : memref<2048x768xf32, #tpu.memory_space<vmem>>, vector<2048x64xf32>
    %get3A_275 = arith.constant 0 : index
    %get3A_276 = arith.constant 192 : index
    %get3A_277 = vector.load %arg5[%get3A_275, %get3A_276] : memref<2048x768xf32, #tpu.memory_space<vmem>>, vector<2048x64xf32>
    %dot_general3A_278 = arith.constant dense<0.000000e+00> : vector<256x2048xf32>
    %dot_general3A_279 = tpu.matmul %get3A_271, %get3A_274, %dot_general3A_278 {dimension_numbers = #tpu.dot_dimension_numbers<[1], [1], [0], [0], [0, 0, 1, 0], [], []>, transpose_lhs_hint = false} : vector<256x64xf32>, vector<2048x64xf32>, vector<256x2048xf32> -> vector<256x2048xf32>
    %mul3A_280 = arith.constant 1.250000e-01 : f32
    %mul3A_281 = vector.broadcast %mul3A_280 : f32 to vector<256x2048xf32>
    %mul3A_282 = arith.mulf %dot_general3A_279, %mul3A_281 : vector<256x2048xf32>
    %add3A_283 = arith.addf %mul3A_282, %select_n3A_145 : vector<256x2048xf32>
    %tanh3A_284 = math.tanh %add3A_283 : vector<256x2048xf32>
    %mul3A_285 = vector.broadcast %get3A_12 : f32 to vector<256x2048xf32>
    %mul3A_286 = arith.mulf %mul3A_285, %tanh3A_284 : vector<256x2048xf32>
    %exp3A_287 = math.exp %mul3A_286 : vector<256x2048xf32>
    %jit3A_288 = arith.constant 0.000000e+00 : f32
    %broadcast_in_dim3A_289 = vector.broadcast %jit3A_288 : f32 to vector<256x2048xf32>
    %select_n3A_290 = arith.select %lt3A_147, %exp3A_287, %broadcast_in_dim3A_289 : vector<256x2048xi1>, vector<256x2048xf32>
    %dot_general3A_291 = arith.constant dense<0.000000e+00> : vector<256x8xf32>
    %dot_general3A_292 = tpu.matmul %select_n3A_290, %broadcast_in_dim3A_149, %dot_general3A_291 {dimension_numbers = #tpu.dot_dimension_numbers<[1], [0], [0], [1], [0, 0, 1, 1], [], []>, transpose_lhs_hint = false} : vector<256x2048xf32>, vector<2048x8xf32>, vector<256x8xf32> -> vector<256x8xf32>
    %dot_general3A_293 = arith.constant dense<0.000000e+00> : vector<256x64xf32>
    %dot_general3A_294 = tpu.matmul %select_n3A_290, %get3A_277, %dot_general3A_293 {dimension_numbers = #tpu.dot_dimension_numbers<[1], [0], [0], [1], [0, 0, 1, 1], [], []>, transpose_lhs_hint = false} : vector<256x2048xf32>, vector<2048x64xf32>, vector<256x64xf32> -> vector<256x64xf32>
    %slice3A_295 = vector.extract_strided_slice %dot_general3A_292 {offsets = [0, 0], sizes = [256, 1], strides = [1, 1]} : vector<256x8xf32> to vector<256x1xf32>
    %div3A_296 = arith.constant 1.000000e+00 : f32
    %div3A_297 = vector.broadcast %div3A_296 : f32 to vector<256x1xf32>
    %div3A_298 = arith.divf %div3A_297, %slice3A_295 : vector<256x1xf32>
    %mul3A_299 = vector.broadcast %div3A_298 : vector<256x1xf32> to vector<256x64xf32>
    %mul3A_300 = arith.mulf %dot_general3A_294, %mul3A_299 : vector<256x64xf32>
    %get3A_301 = arith.constant 192 : index
    %get3A_302 = arith.constant 0 : index
    %get3A_303 = vector.load %arg7[%get3A_301, %get3A_302] : memref<768x768xf32, #tpu.memory_space<vmem>>, vector<64x768xf32>
    %dot_general3A_304 = arith.constant dense<0.000000e+00> : vector<256x768xf32>
    %dot_general3A_305 = tpu.matmul %mul3A_300, %get3A_303, %dot_general3A_304 {dimension_numbers = #tpu.dot_dimension_numbers<[1], [0], [0], [1], [0, 0, 1, 1], [], []>, transpose_lhs_hint = false} : vector<256x64xf32>, vector<64x768xf32>, vector<256x768xf32> -> vector<256x768xf32>
    %add3A_306 = arith.addf %add3A_268, %dot_general3A_305 : vector<256x768xf32>
    %get3A_307 = arith.constant 0 : index
    %get3A_308 = arith.constant 256 : index
    %get3A_309 = vector.load %arg3[%get3A_307, %get3A_308] : memref<256x768xf32, #tpu.memory_space<vmem>>, vector<256x64xf32>
    %get3A_310 = arith.constant 0 : index
    %get3A_311 = arith.constant 256 : index
    %get3A_312 = vector.load %arg4[%get3A_310, %get3A_311] : memref<2048x768xf32, #tpu.memory_space<vmem>>, vector<2048x64xf32>
    %get3A_313 = arith.constant 0 : index
    %get3A_314 = arith.constant 256 : index
    %get3A_315 = vector.load %arg5[%get3A_313, %get3A_314] : memref<2048x768xf32, #tpu.memory_space<vmem>>, vector<2048x64xf32>
    %dot_general3A_316 = arith.constant dense<0.000000e+00> : vector<256x2048xf32>
    %dot_general3A_317 = tpu.matmul %get3A_309, %get3A_312, %dot_general3A_316 {dimension_numbers = #tpu.dot_dimension_numbers<[1], [1], [0], [0], [0, 0, 1, 0], [], []>, transpose_lhs_hint = false} : vector<256x64xf32>, vector<2048x64xf32>, vector<256x2048xf32> -> vector<256x2048xf32>
    %mul3A_318 = arith.constant 1.250000e-01 : f32
    %mul3A_319 = vector.broadcast %mul3A_318 : f32 to vector<256x2048xf32>
    %mul3A_320 = arith.mulf %dot_general3A_317, %mul3A_319 : vector<256x2048xf32>
    %add3A_321 = arith.addf %mul3A_320, %select_n3A_145 : vector<256x2048xf32>
    %tanh3A_322 = math.tanh %add3A_321 : vector<256x2048xf32>
    %mul3A_323 = vector.broadcast %get3A_12 : f32 to vector<256x2048xf32>
    %mul3A_324 = arith.mulf %mul3A_323, %tanh3A_322 : vector<256x2048xf32>
    %exp3A_325 = math.exp %mul3A_324 : vector<256x2048xf32>
    %jit3A_326 = arith.constant 0.000000e+00 : f32
    %broadcast_in_dim3A_327 = vector.broadcast %jit3A_326 : f32 to vector<256x2048xf32>
    %select_n3A_328 = arith.select %lt3A_147, %exp3A_325, %broadcast_in_dim3A_327 : vector<256x2048xi1>, vector<256x2048xf32>
    %dot_general3A_329 = arith.constant dense<0.000000e+00> : vector<256x8xf32>
    %dot_general3A_330 = tpu.matmul %select_n3A_328, %broadcast_in_dim3A_149, %dot_general3A_329 {dimension_numbers = #tpu.dot_dimension_numbers<[1], [0], [0], [1], [0, 0, 1, 1], [], []>, transpose_lhs_hint = false} : vector<256x2048xf32>, vector<2048x8xf32>, vector<256x8xf32> -> vector<256x8xf32>
    %dot_general3A_331 = arith.constant dense<0.000000e+00> : vector<256x64xf32>
    %dot_general3A_332 = tpu.matmul %select_n3A_328, %get3A_315, %dot_general3A_331 {dimension_numbers = #tpu.dot_dimension_numbers<[1], [0], [0], [1], [0, 0, 1, 1], [], []>, transpose_lhs_hint = false} : vector<256x2048xf32>, vector<2048x64xf32>, vector<256x64xf32> -> vector<256x64xf32>
    %slice3A_333 = vector.extract_strided_slice %dot_general3A_330 {offsets = [0, 0], sizes = [256, 1], strides = [1, 1]} : vector<256x8xf32> to vector<256x1xf32>
    %div3A_334 = arith.constant 1.000000e+00 : f32
    %div3A_335 = vector.broadcast %div3A_334 : f32 to vector<256x1xf32>
    %div3A_336 = arith.divf %div3A_335, %slice3A_333 : vector<256x1xf32>
    %mul3A_337 = vector.broadcast %div3A_336 : vector<256x1xf32> to vector<256x64xf32>
    %mul3A_338 = arith.mulf %dot_general3A_332, %mul3A_337 : vector<256x64xf32>
    %get3A_339 = arith.constant 256 : index
    %get3A_340 = arith.constant 0 : index
    %get3A_341 = vector.load %arg7[%get3A_339, %get3A_340] : memref<768x768xf32, #tpu.memory_space<vmem>>, vector<64x768xf32>
    %dot_general3A_342 = arith.constant dense<0.000000e+00> : vector<256x768xf32>
    %dot_general3A_343 = tpu.matmul %mul3A_338, %get3A_341, %dot_general3A_342 {dimension_numbers = #tpu.dot_dimension_numbers<[1], [0], [0], [1], [0, 0, 1, 1], [], []>, transpose_lhs_hint = false} : vector<256x64xf32>, vector<64x768xf32>, vector<256x768xf32> -> vector<256x768xf32>
    %add3A_344 = arith.addf %add3A_306, %dot_general3A_343 : vector<256x768xf32>
    %get3A_345 = arith.constant 0 : index
    %get3A_346 = arith.constant 320 : index
    %get3A_347 = vector.load %arg3[%get3A_345, %get3A_346] : memref<256x768xf32, #tpu.memory_space<vmem>>, vector<256x64xf32>
    %get3A_348 = arith.constant 0 : index
    %get3A_349 = arith.constant 320 : index
    %get3A_350 = vector.load %arg4[%get3A_348, %get3A_349] : memref<2048x768xf32, #tpu.memory_space<vmem>>, vector<2048x64xf32>
    %get3A_351 = arith.constant 0 : index
    %get3A_352 = arith.constant 320 : index
    %get3A_353 = vector.load %arg5[%get3A_351, %get3A_352] : memref<2048x768xf32, #tpu.memory_space<vmem>>, vector<2048x64xf32>
    %dot_general3A_354 = arith.constant dense<0.000000e+00> : vector<256x2048xf32>
    %dot_general3A_355 = tpu.matmul %get3A_347, %get3A_350, %dot_general3A_354 {dimension_numbers = #tpu.dot_dimension_numbers<[1], [1], [0], [0], [0, 0, 1, 0], [], []>, transpose_lhs_hint = false} : vector<256x64xf32>, vector<2048x64xf32>, vector<256x2048xf32> -> vector<256x2048xf32>
    %mul3A_356 = arith.constant 1.250000e-01 : f32
    %mul3A_357 = vector.broadcast %mul3A_356 : f32 to vector<256x2048xf32>
    %mul3A_358 = arith.mulf %dot_general3A_355, %mul3A_357 : vector<256x2048xf32>
    %add3A_359 = arith.addf %mul3A_358, %select_n3A_145 : vector<256x2048xf32>
    %tanh3A_360 = math.tanh %add3A_359 : vector<256x2048xf32>
    %mul3A_361 = vector.broadcast %get3A_12 : f32 to vector<256x2048xf32>
    %mul3A_362 = arith.mulf %mul3A_361, %tanh3A_360 : vector<256x2048xf32>
    %exp3A_363 = math.exp %mul3A_362 : vector<256x2048xf32>
    %jit3A_364 = arith.constant 0.000000e+00 : f32
    %broadcast_in_dim3A_365 = vector.broadcast %jit3A_364 : f32 to vector<256x2048xf32>
    %select_n3A_366 = arith.select %lt3A_147, %exp3A_363, %broadcast_in_dim3A_365 : vector<256x2048xi1>, vector<256x2048xf32>
    %dot_general3A_367 = arith.constant dense<0.000000e+00> : vector<256x8xf32>
    %dot_general3A_368 = tpu.matmul %select_n3A_366, %broadcast_in_dim3A_149, %dot_general3A_367 {dimension_numbers = #tpu.dot_dimension_numbers<[1], [0], [0], [1], [0, 0, 1, 1], [], []>, transpose_lhs_hint = false} : vector<256x2048xf32>, vector<2048x8xf32>, vector<256x8xf32> -> vector<256x8xf32>
    %dot_general3A_369 = arith.constant dense<0.000000e+00> : vector<256x64xf32>
    %dot_general3A_370 = tpu.matmul %select_n3A_366, %get3A_353, %dot_general3A_369 {dimension_numbers = #tpu.dot_dimension_numbers<[1], [0], [0], [1], [0, 0, 1, 1], [], []>, transpose_lhs_hint = false} : vector<256x2048xf32>, vector<2048x64xf32>, vector<256x64xf32> -> vector<256x64xf32>
    %slice3A_371 = vector.extract_strided_slice %dot_general3A_368 {offsets = [0, 0], sizes = [256, 1], strides = [1, 1]} : vector<256x8xf32> to vector<256x1xf32>
    %div3A_372 = arith.constant 1.000000e+00 : f32
    %div3A_373 = vector.broadcast %div3A_372 : f32 to vector<256x1xf32>
    %div3A_374 = arith.divf %div3A_373, %slice3A_371 : vector<256x1xf32>
    %mul3A_375 = vector.broadcast %div3A_374 : vector<256x1xf32> to vector<256x64xf32>
    %mul3A_376 = arith.mulf %dot_general3A_370, %mul3A_375 : vector<256x64xf32>
    %get3A_377 = arith.constant 320 : index
    %get3A_378 = arith.constant 0 : index
    %get3A_379 = vector.load %arg7[%get3A_377, %get3A_378] : memref<768x768xf32, #tpu.memory_space<vmem>>, vector<64x768xf32>
    %dot_general3A_380 = arith.constant dense<0.000000e+00> : vector<256x768xf32>
    %dot_general3A_381 = tpu.matmul %mul3A_376, %get3A_379, %dot_general3A_380 {dimension_numbers = #tpu.dot_dimension_numbers<[1], [0], [0], [1], [0, 0, 1, 1], [], []>, transpose_lhs_hint = false} : vector<256x64xf32>, vector<64x768xf32>, vector<256x768xf32> -> vector<256x768xf32>
    %add3A_382 = arith.addf %add3A_344, %dot_general3A_381 : vector<256x768xf32>
    %get3A_383 = arith.constant 0 : index
    %get3A_384 = arith.constant 384 : index
    %get3A_385 = vector.load %arg3[%get3A_383, %get3A_384] : memref<256x768xf32, #tpu.memory_space<vmem>>, vector<256x64xf32>
    %get3A_386 = arith.constant 0 : index
    %get3A_387 = arith.constant 384 : index
    %get3A_388 = vector.load %arg4[%get3A_386, %get3A_387] : memref<2048x768xf32, #tpu.memory_space<vmem>>, vector<2048x64xf32>
    %get3A_389 = arith.constant 0 : index
    %get3A_390 = arith.constant 384 : index
    %get3A_391 = vector.load %arg5[%get3A_389, %get3A_390] : memref<2048x768xf32, #tpu.memory_space<vmem>>, vector<2048x64xf32>
    %dot_general3A_392 = arith.constant dense<0.000000e+00> : vector<256x2048xf32>
    %dot_general3A_393 = tpu.matmul %get3A_385, %get3A_388, %dot_general3A_392 {dimension_numbers = #tpu.dot_dimension_numbers<[1], [1], [0], [0], [0, 0, 1, 0], [], []>, transpose_lhs_hint = false} : vector<256x64xf32>, vector<2048x64xf32>, vector<256x2048xf32> -> vector<256x2048xf32>
    %mul3A_394 = arith.constant 1.250000e-01 : f32
    %mul3A_395 = vector.broadcast %mul3A_394 : f32 to vector<256x2048xf32>
    %mul3A_396 = arith.mulf %dot_general3A_393, %mul3A_395 : vector<256x2048xf32>
    %add3A_397 = arith.addf %mul3A_396, %select_n3A_145 : vector<256x2048xf32>
    %tanh3A_398 = math.tanh %add3A_397 : vector<256x2048xf32>
    %mul3A_399 = vector.broadcast %get3A_12 : f32 to vector<256x2048xf32>
    %mul3A_400 = arith.mulf %mul3A_399, %tanh3A_398 : vector<256x2048xf32>
    %exp3A_401 = math.exp %mul3A_400 : vector<256x2048xf32>
    %jit3A_402 = arith.constant 0.000000e+00 : f32
    %broadcast_in_dim3A_403 = vector.broadcast %jit3A_402 : f32 to vector<256x2048xf32>
    %select_n3A_404 = arith.select %lt3A_147, %exp3A_401, %broadcast_in_dim3A_403 : vector<256x2048xi1>, vector<256x2048xf32>
    %dot_general3A_405 = arith.constant dense<0.000000e+00> : vector<256x8xf32>
    %dot_general3A_406 = tpu.matmul %select_n3A_404, %broadcast_in_dim3A_149, %dot_general3A_405 {dimension_numbers = #tpu.dot_dimension_numbers<[1], [0], [0], [1], [0, 0, 1, 1], [], []>, transpose_lhs_hint = false} : vector<256x2048xf32>, vector<2048x8xf32>, vector<256x8xf32> -> vector<256x8xf32>
    %dot_general3A_407 = arith.constant dense<0.000000e+00> : vector<256x64xf32>
    %dot_general3A_408 = tpu.matmul %select_n3A_404, %get3A_391, %dot_general3A_407 {dimension_numbers = #tpu.dot_dimension_numbers<[1], [0], [0], [1], [0, 0, 1, 1], [], []>, transpose_lhs_hint = false} : vector<256x2048xf32>, vector<2048x64xf32>, vector<256x64xf32> -> vector<256x64xf32>
    %slice3A_409 = vector.extract_strided_slice %dot_general3A_406 {offsets = [0, 0], sizes = [256, 1], strides = [1, 1]} : vector<256x8xf32> to vector<256x1xf32>
    %div3A_410 = arith.constant 1.000000e+00 : f32
    %div3A_411 = vector.broadcast %div3A_410 : f32 to vector<256x1xf32>
    %div3A_412 = arith.divf %div3A_411, %slice3A_409 : vector<256x1xf32>
    %mul3A_413 = vector.broadcast %div3A_412 : vector<256x1xf32> to vector<256x64xf32>
    %mul3A_414 = arith.mulf %dot_general3A_408, %mul3A_413 : vector<256x64xf32>
    %get3A_415 = arith.constant 384 : index
    %get3A_416 = arith.constant 0 : index
    %get3A_417 = vector.load %arg7[%get3A_415, %get3A_416] : memref<768x768xf32, #tpu.memory_space<vmem>>, vector<64x768xf32>
    %dot_general3A_418 = arith.constant dense<0.000000e+00> : vector<256x768xf32>
    %dot_general3A_419 = tpu.matmul %mul3A_414, %get3A_417, %dot_general3A_418 {dimension_numbers = #tpu.dot_dimension_numbers<[1], [0], [0], [1], [0, 0, 1, 1], [], []>, transpose_lhs_hint = false} : vector<256x64xf32>, vector<64x768xf32>, vector<256x768xf32> -> vector<256x768xf32>
    %add3A_420 = arith.addf %add3A_382, %dot_general3A_419 : vector<256x768xf32>
    %get3A_421 = arith.constant 0 : index
    %get3A_422 = arith.constant 448 : index
    %get3A_423 = vector.load %arg3[%get3A_421, %get3A_422] : memref<256x768xf32, #tpu.memory_space<vmem>>, vector<256x64xf32>
    %get3A_424 = arith.constant 0 : index
    %get3A_425 = arith.constant 448 : index
    %get3A_426 = vector.load %arg4[%get3A_424, %get3A_425] : memref<2048x768xf32, #tpu.memory_space<vmem>>, vector<2048x64xf32>
    %get3A_427 = arith.constant 0 : index
    %get3A_428 = arith.constant 448 : index
    %get3A_429 = vector.load %arg5[%get3A_427, %get3A_428] : memref<2048x768xf32, #tpu.memory_space<vmem>>, vector<2048x64xf32>
    %dot_general3A_430 = arith.constant dense<0.000000e+00> : vector<256x2048xf32>
    %dot_general3A_431 = tpu.matmul %get3A_423, %get3A_426, %dot_general3A_430 {dimension_numbers = #tpu.dot_dimension_numbers<[1], [1], [0], [0], [0, 0, 1, 0], [], []>, transpose_lhs_hint = false} : vector<256x64xf32>, vector<2048x64xf32>, vector<256x2048xf32> -> vector<256x2048xf32>
    %mul3A_432 = arith.constant 1.250000e-01 : f32
    %mul3A_433 = vector.broadcast %mul3A_432 : f32 to vector<256x2048xf32>
    %mul3A_434 = arith.mulf %dot_general3A_431, %mul3A_433 : vector<256x2048xf32>
    %add3A_435 = arith.addf %mul3A_434, %select_n3A_145 : vector<256x2048xf32>
    %tanh3A_436 = math.tanh %add3A_435 : vector<256x2048xf32>
    %mul3A_437 = vector.broadcast %get3A_12 : f32 to vector<256x2048xf32>
    %mul3A_438 = arith.mulf %mul3A_437, %tanh3A_436 : vector<256x2048xf32>
    %exp3A_439 = math.exp %mul3A_438 : vector<256x2048xf32>
    %jit3A_440 = arith.constant 0.000000e+00 : f32
    %broadcast_in_dim3A_441 = vector.broadcast %jit3A_440 : f32 to vector<256x2048xf32>
    %select_n3A_442 = arith.select %lt3A_147, %exp3A_439, %broadcast_in_dim3A_441 : vector<256x2048xi1>, vector<256x2048xf32>
    %dot_general3A_443 = arith.constant dense<0.000000e+00> : vector<256x8xf32>
    %dot_general3A_444 = tpu.matmul %select_n3A_442, %broadcast_in_dim3A_149, %dot_general3A_443 {dimension_numbers = #tpu.dot_dimension_numbers<[1], [0], [0], [1], [0, 0, 1, 1], [], []>, transpose_lhs_hint = false} : vector<256x2048xf32>, vector<2048x8xf32>, vector<256x8xf32> -> vector<256x8xf32>
    %dot_general3A_445 = arith.constant dense<0.000000e+00> : vector<256x64xf32>
    %dot_general3A_446 = tpu.matmul %select_n3A_442, %get3A_429, %dot_general3A_445 {dimension_numbers = #tpu.dot_dimension_numbers<[1], [0], [0], [1], [0, 0, 1, 1], [], []>, transpose_lhs_hint = false} : vector<256x2048xf32>, vector<2048x64xf32>, vector<256x64xf32> -> vector<256x64xf32>
    %slice3A_447 = vector.extract_strided_slice %dot_general3A_444 {offsets = [0, 0], sizes = [256, 1], strides = [1, 1]} : vector<256x8xf32> to vector<256x1xf32>
    %div3A_448 = arith.constant 1.000000e+00 : f32
    %div3A_449 = vector.broadcast %div3A_448 : f32 to vector<256x1xf32>
    %div3A_450 = arith.divf %div3A_449, %slice3A_447 : vector<256x1xf32>
    %mul3A_451 = vector.broadcast %div3A_450 : vector<256x1xf32> to vector<256x64xf32>
    %mul3A_452 = arith.mulf %dot_general3A_446, %mul3A_451 : vector<256x64xf32>
    %get3A_453 = arith.constant 448 : index
    %get3A_454 = arith.constant 0 : index
    %get3A_455 = vector.load %arg7[%get3A_453, %get3A_454] : memref<768x768xf32, #tpu.memory_space<vmem>>, vector<64x768xf32>
    %dot_general3A_456 = arith.constant dense<0.000000e+00> : vector<256x768xf32>
    %dot_general3A_457 = tpu.matmul %mul3A_452, %get3A_455, %dot_general3A_456 {dimension_numbers = #tpu.dot_dimension_numbers<[1], [0], [0], [1], [0, 0, 1, 1], [], []>, transpose_lhs_hint = false} : vector<256x64xf32>, vector<64x768xf32>, vector<256x768xf32> -> vector<256x768xf32>
    %add3A_458 = arith.addf %add3A_420, %dot_general3A_457 : vector<256x768xf32>
    %get3A_459 = arith.constant 0 : index
    %get3A_460 = arith.constant 512 : index
    %get3A_461 = vector.load %arg3[%get3A_459, %get3A_460] : memref<256x768xf32, #tpu.memory_space<vmem>>, vector<256x64xf32>
    %get3A_462 = arith.constant 0 : index
    %get3A_463 = arith.constant 512 : index
    %get3A_464 = vector.load %arg4[%get3A_462, %get3A_463] : memref<2048x768xf32, #tpu.memory_space<vmem>>, vector<2048x64xf32>
    %get3A_465 = arith.constant 0 : index
    %get3A_466 = arith.constant 512 : index
    %get3A_467 = vector.load %arg5[%get3A_465, %get3A_466] : memref<2048x768xf32, #tpu.memory_space<vmem>>, vector<2048x64xf32>
    %dot_general3A_468 = arith.constant dense<0.000000e+00> : vector<256x2048xf32>
    %dot_general3A_469 = tpu.matmul %get3A_461, %get3A_464, %dot_general3A_468 {dimension_numbers = #tpu.dot_dimension_numbers<[1], [1], [0], [0], [0, 0, 1, 0], [], []>, transpose_lhs_hint = false} : vector<256x64xf32>, vector<2048x64xf32>, vector<256x2048xf32> -> vector<256x2048xf32>
    %mul3A_470 = arith.constant 1.250000e-01 : f32
    %mul3A_471 = vector.broadcast %mul3A_470 : f32 to vector<256x2048xf32>
    %mul3A_472 = arith.mulf %dot_general3A_469, %mul3A_471 : vector<256x2048xf32>
    %add3A_473 = arith.addf %mul3A_472, %select_n3A_145 : vector<256x2048xf32>
    %tanh3A_474 = math.tanh %add3A_473 : vector<256x2048xf32>
    %mul3A_475 = vector.broadcast %get3A_12 : f32 to vector<256x2048xf32>
    %mul3A_476 = arith.mulf %mul3A_475, %tanh3A_474 : vector<256x2048xf32>
    %exp3A_477 = math.exp %mul3A_476 : vector<256x2048xf32>
    %jit3A_478 = arith.constant 0.000000e+00 : f32
    %broadcast_in_dim3A_479 = vector.broadcast %jit3A_478 : f32 to vector<256x2048xf32>
    %select_n3A_480 = arith.select %lt3A_147, %exp3A_477, %broadcast_in_dim3A_479 : vector<256x2048xi1>, vector<256x2048xf32>
    %dot_general3A_481 = arith.constant dense<0.000000e+00> : vector<256x8xf32>
    %dot_general3A_482 = tpu.matmul %select_n3A_480, %broadcast_in_dim3A_149, %dot_general3A_481 {dimension_numbers = #tpu.dot_dimension_numbers<[1], [0], [0], [1], [0, 0, 1, 1], [], []>, transpose_lhs_hint = false} : vector<256x2048xf32>, vector<2048x8xf32>, vector<256x8xf32> -> vector<256x8xf32>
    %dot_general3A_483 = arith.constant dense<0.000000e+00> : vector<256x64xf32>
    %dot_general3A_484 = tpu.matmul %select_n3A_480, %get3A_467, %dot_general3A_483 {dimension_numbers = #tpu.dot_dimension_numbers<[1], [0], [0], [1], [0, 0, 1, 1], [], []>, transpose_lhs_hint = false} : vector<256x2048xf32>, vector<2048x64xf32>, vector<256x64xf32> -> vector<256x64xf32>
    %slice3A_485 = vector.extract_strided_slice %dot_general3A_482 {offsets = [0, 0], sizes = [256, 1], strides = [1, 1]} : vector<256x8xf32> to vector<256x1xf32>
    %div3A_486 = arith.constant 1.000000e+00 : f32
    %div3A_487 = vector.broadcast %div3A_486 : f32 to vector<256x1xf32>
    %div3A_488 = arith.divf %div3A_487, %slice3A_485 : vector<256x1xf32>
    %mul3A_489 = vector.broadcast %div3A_488 : vector<256x1xf32> to vector<256x64xf32>
    %mul3A_490 = arith.mulf %dot_general3A_484, %mul3A_489 : vector<256x64xf32>
    %get3A_491 = arith.constant 512 : index
    %get3A_492 = arith.constant 0 : index
    %get3A_493 = vector.load %arg7[%get3A_491, %get3A_492] : memref<768x768xf32, #tpu.memory_space<vmem>>, vector<64x768xf32>
    %dot_general3A_494 = arith.constant dense<0.000000e+00> : vector<256x768xf32>
    %dot_general3A_495 = tpu.matmul %mul3A_490, %get3A_493, %dot_general3A_494 {dimension_numbers = #tpu.dot_dimension_numbers<[1], [0], [0], [1], [0, 0, 1, 1], [], []>, transpose_lhs_hint = false} : vector<256x64xf32>, vector<64x768xf32>, vector<256x768xf32> -> vector<256x768xf32>
    %add3A_496 = arith.addf %add3A_458, %dot_general3A_495 : vector<256x768xf32>
    %get3A_497 = arith.constant 0 : index
    %get3A_498 = arith.constant 576 : index
    %get3A_499 = vector.load %arg3[%get3A_497, %get3A_498] : memref<256x768xf32, #tpu.memory_space<vmem>>, vector<256x64xf32>
    %get3A_500 = arith.constant 0 : index
    %get3A_501 = arith.constant 576 : index
    %get3A_502 = vector.load %arg4[%get3A_500, %get3A_501] : memref<2048x768xf32, #tpu.memory_space<vmem>>, vector<2048x64xf32>
    %get3A_503 = arith.constant 0 : index
    %get3A_504 = arith.constant 576 : index
    %get3A_505 = vector.load %arg5[%get3A_503, %get3A_504] : memref<2048x768xf32, #tpu.memory_space<vmem>>, vector<2048x64xf32>
    %dot_general3A_506 = arith.constant dense<0.000000e+00> : vector<256x2048xf32>
    %dot_general3A_507 = tpu.matmul %get3A_499, %get3A_502, %dot_general3A_506 {dimension_numbers = #tpu.dot_dimension_numbers<[1], [1], [0], [0], [0, 0, 1, 0], [], []>, transpose_lhs_hint = false} : vector<256x64xf32>, vector<2048x64xf32>, vector<256x2048xf32> -> vector<256x2048xf32>
    %mul3A_508 = arith.constant 1.250000e-01 : f32
    %mul3A_509 = vector.broadcast %mul3A_508 : f32 to vector<256x2048xf32>
    %mul3A_510 = arith.mulf %dot_general3A_507, %mul3A_509 : vector<256x2048xf32>
    %add3A_511 = arith.addf %mul3A_510, %select_n3A_145 : vector<256x2048xf32>
    %tanh3A_512 = math.tanh %add3A_511 : vector<256x2048xf32>
    %mul3A_513 = vector.broadcast %get3A_12 : f32 to vector<256x2048xf32>
    %mul3A_514 = arith.mulf %mul3A_513, %tanh3A_512 : vector<256x2048xf32>
    %exp3A_515 = math.exp %mul3A_514 : vector<256x2048xf32>
    %jit3A_516 = arith.constant 0.000000e+00 : f32
    %broadcast_in_dim3A_517 = vector.broadcast %jit3A_516 : f32 to vector<256x2048xf32>
    %select_n3A_518 = arith.select %lt3A_147, %exp3A_515, %broadcast_in_dim3A_517 : vector<256x2048xi1>, vector<256x2048xf32>
    %dot_general3A_519 = arith.constant dense<0.000000e+00> : vector<256x8xf32>
    %dot_general3A_520 = tpu.matmul %select_n3A_518, %broadcast_in_dim3A_149, %dot_general3A_519 {dimension_numbers = #tpu.dot_dimension_numbers<[1], [0], [0], [1], [0, 0, 1, 1], [], []>, transpose_lhs_hint = false} : vector<256x2048xf32>, vector<2048x8xf32>, vector<256x8xf32> -> vector<256x8xf32>
    %dot_general3A_521 = arith.constant dense<0.000000e+00> : vector<256x64xf32>
    %dot_general3A_522 = tpu.matmul %select_n3A_518, %get3A_505, %dot_general3A_521 {dimension_numbers = #tpu.dot_dimension_numbers<[1], [0], [0], [1], [0, 0, 1, 1], [], []>, transpose_lhs_hint = false} : vector<256x2048xf32>, vector<2048x64xf32>, vector<256x64xf32> -> vector<256x64xf32>
    %slice3A_523 = vector.extract_strided_slice %dot_general3A_520 {offsets = [0, 0], sizes = [256, 1], strides = [1, 1]} : vector<256x8xf32> to vector<256x1xf32>
    %div3A_524 = arith.constant 1.000000e+00 : f32
    %div3A_525 = vector.broadcast %div3A_524 : f32 to vector<256x1xf32>
    %div3A_526 = arith.divf %div3A_525, %slice3A_523 : vector<256x1xf32>
    %mul3A_527 = vector.broadcast %div3A_526 : vector<256x1xf32> to vector<256x64xf32>
    %mul3A_528 = arith.mulf %dot_general3A_522, %mul3A_527 : vector<256x64xf32>
    %get3A_529 = arith.constant 576 : index
    %get3A_530 = arith.constant 0 : index
    %get3A_531 = vector.load %arg7[%get3A_529, %get3A_530] : memref<768x768xf32, #tpu.memory_space<vmem>>, vector<64x768xf32>
    %dot_general3A_532 = arith.constant dense<0.000000e+00> : vector<256x768xf32>
    %dot_general3A_533 = tpu.matmul %mul3A_528, %get3A_531, %dot_general3A_532 {dimension_numbers = #tpu.dot_dimension_numbers<[1], [0], [0], [1], [0, 0, 1, 1], [], []>, transpose_lhs_hint = false} : vector<256x64xf32>, vector<64x768xf32>, vector<256x768xf32> -> vector<256x768xf32>
    %add3A_534 = arith.addf %add3A_496, %dot_general3A_533 : vector<256x768xf32>
    %get3A_535 = arith.constant 0 : index
    %get3A_536 = arith.constant 640 : index
    %get3A_537 = vector.load %arg3[%get3A_535, %get3A_536] : memref<256x768xf32, #tpu.memory_space<vmem>>, vector<256x64xf32>
    %get3A_538 = arith.constant 0 : index
    %get3A_539 = arith.constant 640 : index
    %get3A_540 = vector.load %arg4[%get3A_538, %get3A_539] : memref<2048x768xf32, #tpu.memory_space<vmem>>, vector<2048x64xf32>
    %get3A_541 = arith.constant 0 : index
    %get3A_542 = arith.constant 640 : index
    %get3A_543 = vector.load %arg5[%get3A_541, %get3A_542] : memref<2048x768xf32, #tpu.memory_space<vmem>>, vector<2048x64xf32>
    %dot_general3A_544 = arith.constant dense<0.000000e+00> : vector<256x2048xf32>
    %dot_general3A_545 = tpu.matmul %get3A_537, %get3A_540, %dot_general3A_544 {dimension_numbers = #tpu.dot_dimension_numbers<[1], [1], [0], [0], [0, 0, 1, 0], [], []>, transpose_lhs_hint = false} : vector<256x64xf32>, vector<2048x64xf32>, vector<256x2048xf32> -> vector<256x2048xf32>
    %mul3A_546 = arith.constant 1.250000e-01 : f32
    %mul3A_547 = vector.broadcast %mul3A_546 : f32 to vector<256x2048xf32>
    %mul3A_548 = arith.mulf %dot_general3A_545, %mul3A_547 : vector<256x2048xf32>
    %add3A_549 = arith.addf %mul3A_548, %select_n3A_145 : vector<256x2048xf32>
    %tanh3A_550 = math.tanh %add3A_549 : vector<256x2048xf32>
    %mul3A_551 = vector.broadcast %get3A_12 : f32 to vector<256x2048xf32>
    %mul3A_552 = arith.mulf %mul3A_551, %tanh3A_550 : vector<256x2048xf32>
    %exp3A_553 = math.exp %mul3A_552 : vector<256x2048xf32>
    %jit3A_554 = arith.constant 0.000000e+00 : f32
    %broadcast_in_dim3A_555 = vector.broadcast %jit3A_554 : f32 to vector<256x2048xf32>
    %select_n3A_556 = arith.select %lt3A_147, %exp3A_553, %broadcast_in_dim3A_555 : vector<256x2048xi1>, vector<256x2048xf32>
    %dot_general3A_557 = arith.constant dense<0.000000e+00> : vector<256x8xf32>
    %dot_general3A_558 = tpu.matmul %select_n3A_556, %broadcast_in_dim3A_149, %dot_general3A_557 {dimension_numbers = #tpu.dot_dimension_numbers<[1], [0], [0], [1], [0, 0, 1, 1], [], []>, transpose_lhs_hint = false} : vector<256x2048xf32>, vector<2048x8xf32>, vector<256x8xf32> -> vector<256x8xf32>
    %dot_general3A_559 = arith.constant dense<0.000000e+00> : vector<256x64xf32>
    %dot_general3A_560 = tpu.matmul %select_n3A_556, %get3A_543, %dot_general3A_559 {dimension_numbers = #tpu.dot_dimension_numbers<[1], [0], [0], [1], [0, 0, 1, 1], [], []>, transpose_lhs_hint = false} : vector<256x2048xf32>, vector<2048x64xf32>, vector<256x64xf32> -> vector<256x64xf32>
    %slice3A_561 = vector.extract_strided_slice %dot_general3A_558 {offsets = [0, 0], sizes = [256, 1], strides = [1, 1]} : vector<256x8xf32> to vector<256x1xf32>
    %div3A_562 = arith.constant 1.000000e+00 : f32
    %div3A_563 = vector.broadcast %div3A_562 : f32 to vector<256x1xf32>
    %div3A_564 = arith.divf %div3A_563, %slice3A_561 : vector<256x1xf32>
    %mul3A_565 = vector.broadcast %div3A_564 : vector<256x1xf32> to vector<256x64xf32>
    %mul3A_566 = arith.mulf %dot_general3A_560, %mul3A_565 : vector<256x64xf32>
    %get3A_567 = arith.constant 640 : index
    %get3A_568 = arith.constant 0 : index
    %get3A_569 = vector.load %arg7[%get3A_567, %get3A_568] : memref<768x768xf32, #tpu.memory_space<vmem>>, vector<64x768xf32>
    %dot_general3A_570 = arith.constant dense<0.000000e+00> : vector<256x768xf32>
    %dot_general3A_571 = tpu.matmul %mul3A_566, %get3A_569, %dot_general3A_570 {dimension_numbers = #tpu.dot_dimension_numbers<[1], [0], [0], [1], [0, 0, 1, 1], [], []>, transpose_lhs_hint = false} : vector<256x64xf32>, vector<64x768xf32>, vector<256x768xf32> -> vector<256x768xf32>
    %add3A_572 = arith.addf %add3A_534, %dot_general3A_571 : vector<256x768xf32>
    %get3A_573 = arith.constant 0 : index
    %get3A_574 = arith.constant 704 : index
    %get3A_575 = vector.load %arg3[%get3A_573, %get3A_574] : memref<256x768xf32, #tpu.memory_space<vmem>>, vector<256x64xf32>
    %get3A_576 = arith.constant 0 : index
    %get3A_577 = arith.constant 704 : index
    %get3A_578 = vector.load %arg4[%get3A_576, %get3A_577] : memref<2048x768xf32, #tpu.memory_space<vmem>>, vector<2048x64xf32>
    %get3A_579 = arith.constant 0 : index
    %get3A_580 = arith.constant 704 : index
    %get3A_581 = vector.load %arg5[%get3A_579, %get3A_580] : memref<2048x768xf32, #tpu.memory_space<vmem>>, vector<2048x64xf32>
    %dot_general3A_582 = arith.constant dense<0.000000e+00> : vector<256x2048xf32>
    %dot_general3A_583 = tpu.matmul %get3A_575, %get3A_578, %dot_general3A_582 {dimension_numbers = #tpu.dot_dimension_numbers<[1], [1], [0], [0], [0, 0, 1, 0], [], []>, transpose_lhs_hint = false} : vector<256x64xf32>, vector<2048x64xf32>, vector<256x2048xf32> -> vector<256x2048xf32>
    %mul3A_584 = arith.constant 1.250000e-01 : f32
    %mul3A_585 = vector.broadcast %mul3A_584 : f32 to vector<256x2048xf32>
    %mul3A_586 = arith.mulf %dot_general3A_583, %mul3A_585 : vector<256x2048xf32>
    %add3A_587 = arith.addf %mul3A_586, %select_n3A_145 : vector<256x2048xf32>
    %tanh3A_588 = math.tanh %add3A_587 : vector<256x2048xf32>
    %mul3A_589 = vector.broadcast %get3A_12 : f32 to vector<256x2048xf32>
    %mul3A_590 = arith.mulf %mul3A_589, %tanh3A_588 : vector<256x2048xf32>
    %exp3A_591 = math.exp %mul3A_590 : vector<256x2048xf32>
    %jit3A_592 = arith.constant 0.000000e+00 : f32
    %broadcast_in_dim3A_593 = vector.broadcast %jit3A_592 : f32 to vector<256x2048xf32>
    %select_n3A_594 = arith.select %lt3A_147, %exp3A_591, %broadcast_in_dim3A_593 : vector<256x2048xi1>, vector<256x2048xf32>
    %dot_general3A_595 = arith.constant dense<0.000000e+00> : vector<256x8xf32>
    %dot_general3A_596 = tpu.matmul %select_n3A_594, %broadcast_in_dim3A_149, %dot_general3A_595 {dimension_numbers = #tpu.dot_dimension_numbers<[1], [0], [0], [1], [0, 0, 1, 1], [], []>, transpose_lhs_hint = false} : vector<256x2048xf32>, vector<2048x8xf32>, vector<256x8xf32> -> vector<256x8xf32>
    %dot_general3A_597 = arith.constant dense<0.000000e+00> : vector<256x64xf32>
    %dot_general3A_598 = tpu.matmul %select_n3A_594, %get3A_581, %dot_general3A_597 {dimension_numbers = #tpu.dot_dimension_numbers<[1], [0], [0], [1], [0, 0, 1, 1], [], []>, transpose_lhs_hint = false} : vector<256x2048xf32>, vector<2048x64xf32>, vector<256x64xf32> -> vector<256x64xf32>
    %slice3A_599 = vector.extract_strided_slice %dot_general3A_596 {offsets = [0, 0], sizes = [256, 1], strides = [1, 1]} : vector<256x8xf32> to vector<256x1xf32>
    %div3A_600 = arith.constant 1.000000e+00 : f32
    %div3A_601 = vector.broadcast %div3A_600 : f32 to vector<256x1xf32>
    %div3A_602 = arith.divf %div3A_601, %slice3A_599 : vector<256x1xf32>
    %mul3A_603 = vector.broadcast %div3A_602 : vector<256x1xf32> to vector<256x64xf32>
    %mul3A_604 = arith.mulf %dot_general3A_598, %mul3A_603 : vector<256x64xf32>
    %get3A_605 = arith.constant 704 : index
    %get3A_606 = arith.constant 0 : index
    %get3A_607 = vector.load %arg7[%get3A_605, %get3A_606] : memref<768x768xf32, #tpu.memory_space<vmem>>, vector<64x768xf32>
    %dot_general3A_608 = arith.constant dense<0.000000e+00> : vector<256x768xf32>
    %dot_general3A_609 = tpu.matmul %mul3A_604, %get3A_607, %dot_general3A_608 {dimension_numbers = #tpu.dot_dimension_numbers<[1], [0], [0], [1], [0, 0, 1, 1], [], []>, transpose_lhs_hint = false} : vector<256x64xf32>, vector<64x768xf32>, vector<256x768xf32> -> vector<256x768xf32>
    %add3A_610 = arith.addf %add3A_572, %dot_general3A_609 : vector<256x768xf32>
    %get3A_611 = arith.constant 0 : index
    %get3A_612 = arith.constant 0 : index
    %get3A_613 = vector.load %arg13[%get3A_611, %get3A_612] : memref<1x768xf32, #tpu.memory_space<vmem>>, vector<1x768xf32>
    %get3A_614 = arith.constant 0 : index
    %get3A_615 = arith.constant 0 : index
    %get3A_616 = vector.load %arg14[%get3A_614, %get3A_615] : memref<1x768xf32, #tpu.memory_space<vmem>>, vector<1x768xf32>
    %reduce_sum3A = arith.constant dense<0.000000e+00> : vector<256xf32>
    %reduce_sum3A_617 = vector.multi_reduction <add>, %add3A_610, %reduce_sum3A [1] : vector<256x768xf32> to vector<256xf32>
    %broadcast_in_dim3A_618 = vector.shape_cast %reduce_sum3A_617 : vector<256xf32> to vector<256x1xf32>
    %div3A_619 = arith.constant 7.680000e+02 : f32
    %div3A_620 = vector.broadcast %div3A_619 : f32 to vector<256x1xf32>
    %div3A_621 = arith.divf %broadcast_in_dim3A_618, %div3A_620 : vector<256x1xf32>
    %sub3A_622 = vector.broadcast %div3A_621 : vector<256x1xf32> to vector<256x768xf32>
    %sub3A_623 = arith.subf %add3A_610, %sub3A_622 : vector<256x768xf32>
    %mul3A_624 = arith.mulf %sub3A_623, %sub3A_623 : vector<256x768xf32>
    %reduce_sum3A_625 = arith.constant dense<0.000000e+00> : vector<256xf32>
    %reduce_sum3A_626 = vector.multi_reduction <add>, %mul3A_624, %reduce_sum3A_625 [1] : vector<256x768xf32> to vector<256xf32>
    %broadcast_in_dim3A_627 = vector.shape_cast %reduce_sum3A_626 : vector<256xf32> to vector<256x1xf32>
    %div3A_628 = arith.constant 7.680000e+02 : f32
    %div3A_629 = vector.broadcast %div3A_628 : f32 to vector<256x1xf32>
    %div3A_630 = arith.divf %broadcast_in_dim3A_627, %div3A_629 : vector<256x1xf32>
    %add3A_631 = arith.constant 9.99999997E-7 : f32
    %add3A_632 = vector.broadcast %add3A_631 : f32 to vector<256x1xf32>
    %add3A_633 = arith.addf %div3A_630, %add3A_632 : vector<256x1xf32>
    %sqrt3A_634 = math.sqrt %add3A_633 : vector<256x1xf32>
    %div3A_635 = vector.broadcast %sqrt3A_634 : vector<256x1xf32> to vector<256x768xf32>
    %div3A_636 = arith.divf %sub3A_623, %div3A_635 : vector<256x768xf32>
    %mul3A_637 = vector.broadcast %get3A_613 : vector<1x768xf32> to vector<256x768xf32>
    %mul3A_638 = arith.mulf %div3A_636, %mul3A_637 : vector<256x768xf32>
    %add3A_639 = vector.broadcast %get3A_616 : vector<1x768xf32> to vector<256x768xf32>
    %add3A_640 = arith.addf %mul3A_638, %add3A_639 : vector<256x768xf32>
    %get3A_641 = arith.constant 0 : index
    %get3A_642 = arith.constant 0 : index
    %get3A_643 = vector.load %arg9[%get3A_641, %get3A_642] : memref<768x3072xf32, #tpu.memory_space<vmem>>, vector<768x3072xf32>
    %dot_general3A_644 = arith.constant dense<0.000000e+00> : vector<256x3072xf32>
    %dot_general3A_645 = tpu.matmul %add3A_640, %get3A_643, %dot_general3A_644 {dimension_numbers = #tpu.dot_dimension_numbers<[1], [0], [0], [1], [0, 0, 1, 1], [], []>, transpose_lhs_hint = false} : vector<256x768xf32>, vector<768x3072xf32>, vector<256x3072xf32> -> vector<256x3072xf32>
    %get3A_646 = arith.constant 0 : index
    %get3A_647 = arith.constant 0 : index
    %get3A_648 = vector.load %arg10[%get3A_646, %get3A_647] : memref<1x3072xf32, #tpu.memory_space<vmem>>, vector<1x3072xf32>
    %add3A_649 = vector.broadcast %get3A_648 : vector<1x3072xf32> to vector<256x3072xf32>
    %add3A_650 = arith.addf %dot_general3A_645, %add3A_649 : vector<256x3072xf32>
    %integer_pow3A = arith.mulf %add3A_650, %add3A_650 : vector<256x3072xf32>
    %integer_pow3A_651 = arith.mulf %add3A_650, %integer_pow3A : vector<256x3072xf32>
    %mul3A_652 = arith.constant 4.471500e-02 : f32
    %mul3A_653 = vector.broadcast %mul3A_652 : f32 to vector<256x3072xf32>
    %mul3A_654 = arith.mulf %mul3A_653, %integer_pow3A_651 : vector<256x3072xf32>
    %add3A_655 = arith.addf %add3A_650, %mul3A_654 : vector<256x3072xf32>
    %mul3A_656 = arith.constant 0.797884583 : f32
    %mul3A_657 = vector.broadcast %mul3A_656 : f32 to vector<256x3072xf32>
    %mul3A_658 = arith.mulf %mul3A_657, %add3A_655 : vector<256x3072xf32>
    %tanh3A_659 = math.tanh %mul3A_658 : vector<256x3072xf32>
    %add3A_660 = arith.constant 1.000000e+00 : f32
    %add3A_661 = vector.broadcast %add3A_660 : f32 to vector<256x3072xf32>
    %add3A_662 = arith.addf %add3A_661, %tanh3A_659 : vector<256x3072xf32>
    %mul3A_663 = arith.constant 5.000000e-01 : f32
    %mul3A_664 = vector.broadcast %mul3A_663 : f32 to vector<256x3072xf32>
    %mul3A_665 = arith.mulf %mul3A_664, %add3A_662 : vector<256x3072xf32>
    %mul3A_666 = arith.mulf %add3A_650, %mul3A_665 : vector<256x3072xf32>
    %get3A_667 = arith.constant 0 : index
    %get3A_668 = arith.constant 0 : index
    %get3A_669 = vector.load %arg11[%get3A_667, %get3A_668] : memref<3072x768xf32, #tpu.memory_space<vmem>>, vector<3072x768xf32>
    %dot_general3A_670 = arith.constant dense<0.000000e+00> : vector<256x768xf32>
    %dot_general3A_671 = tpu.matmul %mul3A_666, %get3A_669, %dot_general3A_670 {dimension_numbers = #tpu.dot_dimension_numbers<[1], [0], [0], [1], [0, 0, 1, 1], [], []>, transpose_lhs_hint = false} : vector<256x3072xf32>, vector<3072x768xf32>, vector<256x768xf32> -> vector<256x768xf32>
    %get3A_672 = arith.constant 0 : index
    %get3A_673 = arith.constant 0 : index
    %get3A_674 = vector.load %arg12[%get3A_672, %get3A_673] : memref<1x768xf32, #tpu.memory_space<vmem>>, vector<1x768xf32>
    %add3A_675 = vector.broadcast %get3A_674 : vector<1x768xf32> to vector<256x768xf32>
    %add3A_676 = arith.addf %dot_general3A_671, %add3A_675 : vector<256x768xf32>
    %add3A_677 = arith.addf %add3A_610, %add3A_676 : vector<256x768xf32>
    %swap3A = arith.constant 0 : index
    %swap3A_678 = arith.constant 0 : index
    %swap3A_679 = vector.load %arg18[%swap3A, %swap3A_678] : memref<256x768xf32, #tpu.memory_space<vmem>>, vector<256x768xf32>
    tpu.vector_store %arg18[%swap3A, %swap3A_678], %add3A_677 {strides = array<i32>} : memref<256x768xf32, #tpu.memory_space<vmem>>, vector<256x768xf32>,
    return
  }
  func.func @transform_0(%arg0: i32) -> (i32, i32) {
    %c0_i32 = arith.constant 0 : i32
    %c0_i32_0 = arith.constant 0 : i32
    return %arg0, %c0_i32 : i32, i32
  }
  func.func @transform_1(%arg0: i32) -> (i32, i32) {
    %c0_i32 = arith.constant 0 : i32
    %c0_i32_0 = arith.constant 0 : i32
    return %arg0, %c0_i32 : i32, i32
  }
  func.func @transform_2(%arg0: i32) -> (i32, i32) {
    %c0_i32 = arith.constant 0 : i32
    %c0_i32_0 = arith.constant 0 : i32
    return %arg0, %c0_i32 : i32, i32
  }
  func.func @transform_3(%arg0: i32) -> (i32, i32) {
    %c0_i32 = arith.constant 0 : i32
    %c1_i32 = arith.constant 1 : i32
    %c0_i32_0 = arith.constant 0 : i32
    return %c0_i32, %c1_i32 : i32, i32
  }
  func.func @transform_4(%arg0: i32) -> (i32, i32) {
    %c0_i32 = arith.constant 0 : i32
    %c2_i32 = arith.constant 2 : i32
    %c0_i32_0 = arith.constant 0 : i32
    return %c0_i32, %c2_i32 : i32, i32
  }
  func.func @transform_5(%arg0: i32) -> (i32, i32) {
    %c0_i32 = arith.constant 0 : i32
    %c0_i32_0 = arith.constant 0 : i32
    return %arg0, %c0_i32 : i32, i32
  }
  func.func @transform_6(%arg0: i32) -> (i32, i32) {
    %c0_i32 = arith.constant 0 : i32
    %c0_i32_0 = arith.constant 0 : i32
    %c0_i32_1 = arith.constant 0 : i32
    return %c0_i32, %c0_i32_0 : i32, i32
  }
  func.func @transform_7(%arg0: i32) -> (i32, i32) {
    %c0_i32 = arith.constant 0 : i32
    %c0_i32_0 = arith.constant 0 : i32
    %c0_i32_1 = arith.constant 0 : i32
    return %c0_i32, %c0_i32_0 : i32, i32
  }
  func.func @transform_8(%arg0: i32) -> (i32, i32) {
    %c0_i32 = arith.constant 0 : i32
    %c0_i32_0 = arith.constant 0 : i32
    %c0_i32_1 = arith.constant 0 : i32
    return %c0_i32, %c0_i32_0 : i32, i32
  }
  func.func @transform_9(%arg0: i32) -> (i32, i32) {
    %c0_i32 = arith.constant 0 : i32
    %c0_i32_0 = arith.constant 0 : i32
    %c0_i32_1 = arith.constant 0 : i32
    return %c0_i32, %c0_i32_0 : i32, i32
  }
  func.func @transform_10(%arg0: i32) -> (i32, i32) {
    %c0_i32 = arith.constant 0 : i32
    %c0_i32_0 = arith.constant 0 : i32
    %c0_i32_1 = arith.constant 0 : i32
    return %c0_i32, %c0_i32_0 : i32, i32
  }
  func.func @transform_11(%arg0: i32) -> (i32, i32) {
    %c0_i32 = arith.constant 0 : i32
    %c0_i32_0 = arith.constant 0 : i32
    %c0_i32_1 = arith.constant 0 : i32
    return %c0_i32, %c0_i32_0 : i32, i32
  }
  func.func @transform_12(%arg0: i32) -> (i32, i32) {
    %c0_i32 = arith.constant 0 : i32
    %c0_i32_0 = arith.constant 0 : i32
    %c0_i32_1 = arith.constant 0 : i32
    return %c0_i32, %c0_i32_0 : i32, i32
  }
  func.func @transform_13(%arg0: i32) -> (i32, i32) {
    %c0_i32 = arith.constant 0 : i32
    %c0_i32_0 = arith.constant 0 : i32
    %c0_i32_1 = arith.constant 0 : i32
    return %c0_i32, %c0_i32_0 : i32, i32
  }
  func.func @transform_14(%arg0: i32) -> (i32, i32) {
    %c0_i32 = arith.constant 0 : i32
    %c0_i32_0 = arith.constant 0 : i32
    %c0_i32_1 = arith.constant 0 : i32
    return %c0_i32, %c0_i32_0 : i32, i32
  }
  func.func @transform_15(%arg0: i32) -> (i32, i32) {
    %c0_i32 = arith.constant 0 : i32
    %c0_i32_0 = arith.constant 0 : i32
    %c0_i32_1 = arith.constant 0 : i32
    return %c0_i32, %c0_i32_0 : i32, i32
  }
  func.func @transform_16(%arg0: i32) -> (i32, i32) {
    %c0_i32 = arith.constant 0 : i32
    %c0_i32_0 = arith.constant 0 : i32
    %c0_i32_1 = arith.constant 0 : i32
    return %c0_i32, %c0_i32_0 : i32, i32
  }
  func.func @transform_17(%arg0: i32) -> (i32, i32) {
    %c0_i32 = arith.constant 0 : i32
    %c0_i32_0 = arith.constant 0 : i32
    return %arg0, %c0_i32 : i32, i32
  }
}

</mosaic_0001>

<sc_bundles>
// kernel: kernel.5.cloned.1.call-start
scs
__scs_entry_jumppad:
0x0: {  	(pc) =	sbr.rel $0x88, $3  }
0x1: {  	(tag) =	ssettag $0x0;
	lr =	simm.s32 $0x1  }
0x2: {  	[smem:$0x3F8C] =	sst lr;
	_ =	strace $0xD0000000  }
0x3: {  	_ = 	snop  }
0x4: {  	_ = 	snop  }
0x5: {  	_ = 	snop  }
0x6: {  	_ = 	snop  }
0x7: {  	_ = 	snop  }
__scs_overlays_trampoline_lowered:
0x8: {  	[smem:$0x3F9B] =	sst s0  }
0x9: {  	[smem:$0x3F9C] =	sst s1  }
0xa: {  	[smem:$0x3F9D] =	sst s2  }
0xb: {  	[smem:$0x3F9E] =	sst s3  }
0xc: {  	[smem:$0x3F9F] =	sst s4  }
0xd: {  	[smem:$0x3FA0] =	sst s5  }
0xe: {  	[smem:$0x3FA1] =	sst s6  }
0xf: {  	[smem:$0x3FA2] =	sst s7  }
0x10: {  	[smem:$0x3FA3] =	sst s8  }
0x11: {  	[smem:$0x3FA4] =	sst s9;
	s0 =	simm.s32 @!p0 $0x0  }
0x12: {  	s1 =	sld [smem:$0x3F8A];
	s0 =	simm.s32 @p0 $0x1  }
0x13: {  	[smem:$0x3FA5] =	sst s0;
	s0 =	simm.s32 @!p1 $0x0  }
0x14: {  	s2 =	sld [smem:$0x3F89];
	s0 =	simm.s32 @p1 $0x1  }
0x15: {  	[smem:$0x3FA6] =	sst s0;
	s0 =	simm.s32 @!p2 $0x0  }
0x16: {  	s3 =	sld [smem:$0x3FDB];
	s0 =	simm.s32 @p2 $0x1  }
0x17: {  	s4 =	simm.s32 $0x1BF5;
	[smem:$0x3FA8] =	sst s0  }
0x18: {  	s0 =	sld [smem:$0x3F8B];
	_ =	swait.ge [sflag:s4], $0x0  }
0x19: {  	s7 =	sld [smem:$0x3F8C]  }
0x1a: {  	s8 =	sadd.s32 $0xFFFFE003, lr  }
0x1b: {  	s9 =	sadd.s32 $0xFFFFFEF7, lr;
	s5 =	simm.s32 $0xFFFFFFFF;
	p2 =	slt.u32 s8, $0xFFFFF086  }
0x1c: {  	p1 =	slt.u32 s9, $0xF7A;
	s5 =	simm.s32 @!p2 $0x0  }
0x1d: {  	s5 =	simm.s32 @p1 $0x1;
	p0 =	seq.s32 s7, s2  }
0x1e: {  	s7 =	smul.u32 @!p0 $0xF7A, s2;
	p2 =	seq.s32 @!p0 s5, $0x0  }
0x1f: {  	s9 =	smul.u32 $0xF7A, s1;
	s8 =	simm.s32 @!p0 $0x1BF5;
	p2 =	por !p2, p0  }
0x20: {  	[sflag:s8] =	ssyncset.s32 @!p0 $0xFFFFF086;
	s6 =	sadd.s32 @!p0 s3, s7;
	s7 =	simm.s32 @!p0 $0x108  }
0x21: {  	s3 =	sadd.s32 s3, s9;
	s6 =	sadd.s32 @!p0 $0x88, s6;
	s7 =	simm.s32 @p2 $0x1082  }
0x22: {  	[simem:s7], [sflag:s8] =	dma.local @!p0 [hbm:s6], $0xF7A  }
0x23: {  	s9 =	sor.u32 $0xD0000000, s2;
	s6 =	simm.s32 $0x108;
	_ =	swait.ge @!p0 [sflag:s8], $0x0  }
0x24: {  	s3 =	sadd.s32 $0x88, s3;
	s6 =	simm.s32 @!p1 $0x1082;
	[sflag:s4] =	ssyncset.s32 $0xFFFFF086  }
0x25: {  	[simem:s6], [sflag:s4] =	dma.local [hbm:s3], $0xF7A  }
0x26: {  	[smem:$0x3F8C] =	sst s1;
	(tag) =	ssettag s2;
	_ =	strace s9  }
0x27: {  	s1 =	sld [smem:$0x3F9C]  }
0x28: {  	s2 =	sld [smem:$0x3F9D]  }
0x29: {  	s4 =	sld [smem:$0x3F9F]  }
0x2a: {  	p0 =	seq.s32 s5, $0x0;
	s5 =	sld [smem:$0x3FA0]  }
0x2b: {  	s6 =	sld [smem:$0x3FA1]  }
0x2c: {  	s7 =	sld [smem:$0x3FA2]  }
0x2d: {  	s3 =	simm.s32 $0x108;
	s8 =	sld [smem:$0x3FA3]  }
0x2e: {  	s3 =	simm.s32 @!p0 $0x1082;
	s9 =	sld [smem:$0x3FA4]  }
0x2f: {  	lr =	sadd.s32 s0, s3;
	s0 =	sld [smem:$0x3F9B]  }
0x30: {  	s3 =	sld [smem:$0x3F9E]  }
0x31: {  	[smem:$0x3FA7] =	sst s10  }
0x32: {  	s10 =	sld [smem:$0x3FA5];
	_ =	sdelay $0x3  }
0x33: {  	p0 =	seq.s32 s10, $0x1;
	s10 =	sld [smem:$0x3FA7];
	_ =	sdelay $0x3  }
0x34: {  	[smem:$0x3FA7] =	sst s10  }
0x35: {  	s10 =	sld [smem:$0x3FA6];
	_ =	sdelay $0x3  }
0x36: {  	p1 =	seq.s32 s10, $0x1;
	s10 =	sld [smem:$0x3FA7];
	_ =	sdelay $0x3  }
0x37: {  	[smem:$0x3FA7] =	sst s10  }
0x38: {  	s10 =	sld [smem:$0x3FA8]  }
0x39: {  	_ = 	snop;
	(pc) =	sbr.ind lr, $3  }
0x3a: {  	_ = 	snop  }
0x3b: {  	_ = 	snop  }
0x3c: {  	p2 =	seq.s32 s10, $0x1;
	s10 =	sld [smem:$0x3FA7]  }
0x3d: {  	_ =	shalt  }
0x3e: {  	_ =	shalt  }
0x3f: {  	_ =	shalt  }
0x40: {  	_ =	shalt  }
0x41: {  	_ =	shalt  }
0x42: {  	_ =	shalt  }
0x43: {  	_ =	shalt  }
0x44: {  	_ =	shalt  }
0x45: {  	_ =	shalt  }
0x46: {  	_ =	shalt  }
0x47: {  	_ =	shalt  }
0x48: {  	_ =	shalt  }
0x49: {  	_ =	shalt  }
0x4a: {  	_ =	shalt  }
0x4b: {  	_ =	shalt  }
0x4c: {  	_ =	shalt  }
0x4d: {  	_ =	shalt  }
0x4e: {  	_ =	shalt  }
0x4f: {  	_ =	shalt  }
0x50: {  	_ =	shalt  }
0x51: {  	_ =	shalt  }
0x52: {  	_ =	shalt  }
0x53: {  	_ =	shalt  }
0x54: {  	_ =	shalt  }
0x55: {  	_ =	shalt  }
0x56: {  	_ =	shalt  }
0x57: {  	_ =	shalt  }
0x58: {  	_ =	shalt  }
0x59: {  	_ =	shalt  }
0x5a: {  	_ =	shalt  }
0x5b: {  	_ =	shalt  }
0x5c: {  	_ =	shalt  }
0x5d: {  	_ =	shalt  }
0x5e: {  	_ =	shalt  }
0x5f: {  	_ =	shalt  }
0x60: {  	_ =	shalt  }
0x61: {  	_ =	shalt  }
0x62: {  	_ =	shalt  }
0x63: {  	_ =	shalt  }
0x64: {  	_ =	shalt  }
0x65: {  	_ =	shalt  }
0x66: {  	_ =	shalt  }
0x67: {  	_ =	shalt  }
0x68: {  	_ =	shalt  }
0x69: {  	_ =	shalt  }
0x6a: {  	_ =	shalt  }
0x6b: {  	_ =	shalt  }
0x6c: {  	_ =	shalt  }
0x6d: {  	_ =	shalt  }
0x6e: {  	_ =	shalt  }
0x6f: {  	_ =	shalt  }
0x70: {  	_ =	shalt  }
0x71: {  	_ =	shalt  }
0x72: {  	_ =	shalt  }
0x73: {  	_ =	shalt  }
0x74: {  	_ =	shalt  }
0x75: {  	_ =	shalt  }
0x76: {  	_ =	shalt  }
0x77: {  	_ =	shalt  }
0x78: {  	_ =	shalt  }
0x79: {  	_ =	shalt  }
0x7a: {  	_ =	shalt  }
0x7b: {  	_ =	shalt  }
0x7c: {  	_ =	shalt  }
0x7d: {  	_ =	shalt  }
0x7e: {  	_ =	shalt  }
0x7f: {  	_ =	shalt  }
0x80: {  	_ =	shalt  }
0x81: {  	_ =	shalt  }
0x82: {  	_ =	shalt  }
0x83: {  	_ =	shalt  }
0x84: {  	_ =	shalt  }
0x85: {  	_ =	shalt  }
0x86: {  	_ =	shalt  }
0x87: {  	_ =	shalt  }
.Lfunc_end0:
.L_simem_size_0:
called_computation_lowered:
.L_overlay_start_0:
0x88: {  	s2 =	sld [smem:$0x3FD9]  }
0x89: {  	s3 =	sld [smem:$0x3FFE];
	_ =	sdelay $0x1  }
0x8a: {  	s1 =	srdreg.scid  }
0x8b: {  	s0 =	sand.u32 $0x1, s1  }
0x8c: {  	s17 =	sshll.u32 s0, $0xA;
	s2 =	sadd.s32 s3, s2  }
0x8d: {  	s2 =	sadd.s32 s2, s17  }
0x8e: {  	[smem:$0x3FB3] =	sst s2  }
0x8f: {  	_ = 	snop  }
0x90: {  	s2 =	sld [smem:$0x3FD0];
	(tm) =	ssettm $0x1  }
0x91: {  	s18 =	sld [smem:$0x3FFB];
	_ =	sdelay $0x3  }
0x92: {  	_ =	strace s18  }
0x93: {  	s3 =	sld [smem:$0x3FFC];
	_ =	sdelay $0x3  }
0x94: {  	_ =	strace s3  }
0x95: {  	s3 =	sld [smem:$0x3FFD];
	_ =	sdelay $0x3  }
0x96: {  	_ =	strace s3  }
0x97: {  	_ =	strace $0x8FFFFFFF  }
0x98: {  	s19 =	sld [smem:$0x3FDB];
	_ =	sdelay $0x1  }
0x99: {  	s4 =	simm.s32 $_scs_section_size  }
0x9a: {  	s5 =	simm.s32 $_size__tile_overlayer_lowered;
	s6 =	simm.s32 $_tile_overlayer_lowered  }
0x9b: {  	s22 =	simm.s32 $0x1BFF;
	s21 =	sshll.u32 s6, $0x1;
	s3 =	sadd.s32 s4, s19  }
0x9c: {  	s7 =	simm.s32 $0x0;
	s20 =	sshll.u32 s5, $0x1;
	s5 =	sadd.s32 s21, s3  }
0x9d: {  	[timem:s7], [sflag:s22] =	dma.local [hbm:s5], s20  }
0x9e: {  	_ =	swait.ge [sflag:s22], s20  }
0x9f: {  	s4 =	ssub.s32 $0x0, s20;
	[sflag:s22] =	ssyncset.done $0x0  }
0xa0: {  	[sflag:s22] =	ssyncadd.s32 s4;
	_ =	sdelay $0x1  }
0xa1: {  	s23 =	simm.s32 $0x1B8B  }
0xa2: {  	_ =	swait.ge [sflag:s23], $0x1  }
0xa3: {  	[sflag:s23] =	ssyncset.done $0x0  }
0xa4: {  	s25 =	simm.s32 $0x1B8E;
	s24 =	sld [smem:$0x3FFE];
	[sflag:s23] =	ssyncadd.s32 $0xFFFFFFFF  }
0xa5: {  	s26 =	simm.s32 $execute0_lowered;
	[smem:$0x3FD2] =	sst s25  }
0xa6: {  	s5 =	sshll.u32 s26, $0x1;
	_ =	strace $0x80000046;
	[dreg:$0x1] =	wrdreg $0xFFFFFFFF  }
0xa7: {  	s28 =	simm.s32 $_size_execute0_lowered;
	s3 =	sadd.s32 s3, s5;
	[dreg:$0x0] =	wrdreg $0x0  }
0xa8: {  	s5 =	sshll.u32 s28, $0x1;
	[dreg:$0x2] =	wrdreg s3  }
0xa9: {  	[dreg:$0x3] =	wrdreg s5  }
0xaa: {  	[dreg:$0x4] =	wrdreg $0xC0  }
0xab: {  	_ =	task [dreg:s7], $0x5FFFF  }
0xac: {  	[dreg:$0x1] =	wrdreg $0xFFFFFFFF  }
0xad: {  	[dreg:$0x0] =	wrdreg $0x60  }
0xae: {  	[dreg:$0x2] =	wrdreg s24  }
0xaf: {  	[dreg:$0x3] =	wrdreg s2  }
0xb0: {  	[dreg:$0x4] =	wrdreg $0x9  }
0xb1: {  	_ =	task.clear_ibuf [dreg:s7], $0x5FFFF;
	_ =	strace $0x90000046  }
0xb2: {  	s29 =	simm.s32 $0x9;
	_ =	strace $0x80000048  }
0xb3: {  	_ =	swait.ge [sflag:s29], $0x1  }
0xb4: {  	[sflag:s29] =	ssyncadd.s32 $0xFFFFFFFF  }
0xb5: {  	_ =	strace $0x90000048  }
0xb6: {  	_ =	sfence  }
0xb7: {  	s30 =	sld [smem:$0x0];
	_ =	sdelay $0x2  }
0xb8: {  	s31 =	sshll.u32 s1, $0xD;
	s1 =	sshrl.u32 s1, $0x2  }
0xb9: {  	s3 =	sand.u32 $0x4000, s31;
	s1 =	sadd.s32 s1, s30  }
0xba: {  	s0 =	sor.u32 s3, s0;
	s1 =	sshll.u32 s1, $0x11  }
0xbb: {  	s0 =	sor.u32 s1, s0  }
0xbc: {  	s0 =	sadd.s32 $0x8F2B, s0  }
0xbd: {  	[sflag:s0] =	ssyncadd.remote.s32 $0x1  }
0xbe: {  	_ =	sfence.sel $0xFFFF  }
0xbf: {  	[dreg:$0x0] =	wrdreg $0xFFFFFFFF;
	(pc) =	sbr.abs _section_cstart, $3  }
0xc0: {  	[dreg:$0x1] =	wrdreg $0xFFFFFFFF  }
0xc1: {  	_ =	task.clear_ibuf [dreg:s7], $0x2FFFF;
	_ =	strace $0x9FFFFFFF  }
0xc2: {  	(tm) =	ssettm $0x7FFFFFFF  }
0xc3: {  	_ =	shalt  }
tec
execute0_lowered:
.L_overlay_start_1:
0x0: {  	(tag) =	ssettag $0x1  }
0x1: {  	s6 =	rddreg [dreg:$0x0]  }
0x2: {  	s1 =	rddreg [dreg:$0x1]  }
0x3: {  	s0 =	rddreg [dreg:$0x2];
	s3 =	simm.s32 $0x0;
	s4 =	srdreg.scid  }
0x4: {  	s2 =	stileid.u32;
	s9 =	simm.s32 $0x80;
	s10 =	simm.s32 $0x400  }
0x5: {  	s11 =	simm.s32 $0x800;
	s12 =	simm.s32 $0x1;
	s13 =	simm.s32 $0x1000  }
0x6: {  	s14 =	simm.s32 $0x3;
	s15 =	simm.s32 $0x1080;
	s16 =	simm.s32 $0x2  }
0x7: {  	s17 =	simm.s32 $0x0;
	[smem:$0x7FF] =	sst s3;
	s4 =	sand.u32 $0x1, s4  }
0x8: {  	s5 =	sshll.u32 s2, $0x7;
	s7 =	ssub.s32 $0x2, s4;
	s4 =	sshll.u32 s4, $0x6  }
0x9: {  	_ =	strace $0x80000047;
	s8 =	sshrl.u32 s7, $0x1;
	s4 =	sor.u32 s4, s5  }
0xa: {  	s5 =	sadd.s32 $0x2C00, s6;
	s8 =	ssub.s32 s7, s8;
	s31 =	sshll.u32 s4, $0x8  }
0xb: {  	v0 =	vlaneseq.u32;
	s6 =	sadd.s32 $0x112C00, s6;
	s7 =	sadd.s32 s5, s31;
	s8 =	smax.u32 s8, $0x1  }
.LBB2_1:
0xc: {  	[tilespmem:s3], [sflag:$0x1] =	stream.strided.gather [hbm4b:s7+s9], $0x800, s10, s9, $0x38;
	[tilespmem:$0x1100] =	vst v63  }
0xd: {  	s18 =	simm.s32 $0x0  }
.LBB2_2:
0xe: {  	s19 =	sshll.u32 s18, $0x1  }
0xf: {  	s20 =	sadd.s32 s4, s19  }
0x10: {  	s19 =	sor.u32 $0x1, s20;
	s21 =	sshll.u32 s20, $0x8  }
0x11: {  	s21 =	sand.u32 $0x7F800, s21;
	s22 =	sshll.u32 s19, $0x4  }
0x12: {  	s22 =	sand.u32 $0x70, s22;
	s21 =	sadd.s32 s5, s21  }
0x13: {  	s21 =	sadd.s32 s22, s21  }
0x14: {  	[tilespmem:s11], [sflag:$0x2] =	stream.strided.gather [hbm4b:s21+s9], $0x800, s10, s9, $0x38;
	[tilespmem:$0x1100] =	vst v63  }
0x15: {  	_ =	swait.ge [sflag:s12], $0x800  }
0x16: {  	[sflag:s12] =	ssyncset.done $0x0  }
0x17: {  	s25 =	simm.s32 $0x40;
	[sflag:s12] =	ssyncadd.s32 $0xFFFFF800  }
0x18: {  	v1 =	vld [tilespmem:s25+$0xFFFFFFC0]  }
0x19: {  	v2 =	vld [tilespmem:s25+$0x20]  }
0x1a: {  	v3 =	vld [tilespmem:s25+$0x30]  }
0x1b: {  	s26 =	simm.s32 $0x0;
	v4 =	vld [tilespmem:s25+$0x0]  }
0x1c: {  	s28 =	simm.s32 $0x60;
	v5 =	vor.u32 s26, v0;
	v6 =	vld [tilespmem:s25+$0x10]  }
0x1d: {  	s23 =	simm.s32 $0x70;
	v8 =	vor.u32 s28, v0;
	v7 =	vld [tilespmem:s25+$0xFFFFFFE0];
	(xrf1) =	vsort.ascd.msk.f32 $0xffff, v1, v5  }
0x1e: {  	s29 =	simm.s32 $0x40;
	v1 =	vld [tilespmem:s25+$0xFFFFFFD0];
	v5 =	vor.u32 s23, v0;
	(xrf1) =	vsort.ascd.msk.f32 $0xffff, v2, v8  }
0x1f: {  	s30 =	simm.s32 $0x50;
	v2 =	vor.u32 s29, v0;
	(xrf1) =	vsort.dscd.msk.f32 $0xffff, v3, v5  }
0x20: {  	s31 =	simm.s32 $0x20;
	v3 =	vor.u32 s30, v0;
	(xrf1) =	vsort.ascd.msk.f32 $0xffff, v4, v2;
	v2 =	vld [tilespmem:s25+$0xFFFFFFF0]  }
0x21: {  	s22 =	simm.s32 $0x10;
	v4 =	vor.u32 s31, v0;
	(xrf1) =	vsort.dscd.msk.f32 $0xffff, v6, v3  }
0x22: {  	v3 =	vor.u32 s22, v0;
	(xrf1) =	vsort.ascd.msk.f32 $0xffff, v7, v4  }
0x23: {  	s23 =	simm.s32 $0x30;
	(xrf1) =	vsort.dscd.msk.f32 $0xffff, v1, v3  }
0x24: {  	v1 =	vor.u32 s23, v0  }
0x25: {  	s24 =	simm.s32 $0xC0;
	(xrf1) =	vsort.dscd.msk.f32 $0xffff, v2, v1  }
0x26: {  	v1 =	vld [tilespmem:s24+$0xFFFFFFC0]  }
0x27: {  	s25 =	simm.s32 $0x80;
	v2 =	vld [tilespmem:s24+$0x20]  }
0x28: {  	v5 =	vor.u32 s25, v0;
	v3 =	vld [tilespmem:s24+$0x30]  }
0x29: {  	s26 =	simm.s32 $0xE0;
	s28 =	simm.s32 $0xF0;
	v4 =	vld [tilespmem:s24+$0x0]  }
0x2a: {  	v10 =	vor.u32 s26, v0;
	v12 =	vor.u32 s28, v0;
	v6 =	vld [tilespmem:s24+$0x10]  }
0x2b: {  	v9 =	vld [tilespmem:s24+$0xFFFFFFE0];
	(xrf1) =	vsort.ascd.msk.f32 $0xffff, v1, v5;
	v7, v8, _ =	vpop (xrf1)  }
0x2c: {  	v11 =	vld [tilespmem:s24+$0xFFFFFFD0];
	s29 =	simm.s32 $0xC0;
	s30 =	simm.s32 $0xD0;
	(xrf1) =	vsort.ascd.msk.f32 $0xffff, v2, v10;
	v1, v5, _ =	vpop (xrf1)  }
0x2d: {  	s31 =	simm.s32 $0xA0;
	v14 =	vor.u32 s30, v0;
	v2 =	vor.u32 s29, v0;
	(xrf1) =	vsort.dscd.msk.f32 $0xffff, v3, v12;
	v10, v13, _ =	vpop (xrf1)  }
0x2e: {  	(xrf1) =	vsort.ascd.msk.f32 $0xffff, v4, v2;
	v2 =	vld [tilespmem:s24+$0xFFFFFFF0];
	v4 =	vor.u32 s31, v0;
	v3, v12, _ =	vpop (xrf1)  }
0x2f: {  	s24 =	simm.s32 $0x90;
	(xrf1) =	vsort.dscd.msk.f32 $0xffff, v6, v14;
	v15, v16, _ =	vpop (xrf1)  }
0x30: {  	v6 =	vor.u32 s24, v0;
	vm0 =	vlt.f32 v10, v1;
	(xrf1) =	vsort.ascd.msk.f32 $0xffff, v9, v4;
	v14, v17, _ =	vpop (xrf1);
	vm1 =	vlt.f32 v15, v3  }
0x31: {  	s25 =	simm.s32 $0xB0;
	(xrf1) =	vsort.dscd.msk.f32 $0xffff, v11, v6;
	v4, v9, _ =	vpop (xrf1);
	v3 =	vsel vm1, v15, v3;
	v12 =	vsel vm1, v16, v12  }
0x32: {  	v1 =	vsel vm0, v10, v1;
	v6 =	vor.u32 s25, v0;
	vm1 =	vlt.f32 v4, v7;
	(xrf1) =	vsort.ascd.msk.f32 $0xffff, v3, v12  }
0x33: {  	s26 =	simm.s32 $0x140;
	v3 =	vsel vm0, v13, v5;
	v4 =	vsel vm1, v4, v7;
	v5, v7, _ =	vpop (xrf1);
	(xrf1) =	vsort.dscd.msk.f32 $0xffff, v2, v6  }
0x34: {  	v2 =	vsel vm1, v9, v8;
	v6 =	vld [tilespmem:s26+$0xFFFFFFC0];
	vm0 =	vlt.f32 v5, v14;
	(xrf1) =	vsort.dscd.msk.f32 $0xffff, v1, v3  }
0x35: {  	v1 =	vsel vm0, v5, v14;
	v3 =	vsel vm0, v7, v17;
	v5 =	vld [tilespmem:s26+$0x20];
	(xrf1) =	vsort.ascd.msk.f32 $0xffff, v4, v2  }
0x36: {  	s28 =	simm.s32 $0x100;
	v2 =	vld [tilespmem:s26+$0x30];
	(xrf1) =	vsort.dscd.msk.f32 $0xffff, v1, v3  }
0x37: {  	s30 =	simm.s32 $0x170;
	s29 =	simm.s32 $0x160;
	v1 =	vld [tilespmem:s26+$0x0];
	v3 =	vor.u32 s28, v0  }
0x38: {  	v10 =	vor.u32 s29, v0;
	v12 =	vor.u32 s30, v0;
	v4 =	vld [tilespmem:s26+$0x10]  }
0x39: {  	v9 =	vld [tilespmem:s26+$0xFFFFFFE0];
	v7, v8, _ =	vpop (xrf1);
	(xrf1) =	vsort.ascd.msk.f32 $0xffff, v6, v3  }
0x3a: {  	s23 =	simm.s32 $0x150;
	s31 =	simm.s32 $0x140;
	v11 =	vld [tilespmem:s26+$0xFFFFFFD0];
	v3, v6, _ =	vpop (xrf1);
	(xrf1) =	vsort.ascd.msk.f32 $0xffff, v5, v10  }
0x3b: {  	s24 =	simm.s32 $0x120;
	v14 =	vor.u32 s23, v0;
	v5 =	vor.u32 s31, v0;
	v10, v13, _ =	vpop (xrf1);
	(xrf1) =	vsort.dscd.msk.f32 $0xffff, v2, v12  }
0x3c: {  	v2, v12, _ =	vpop (xrf1);
	(xrf1) =	vsort.ascd.msk.f32 $0xffff, v1, v5;
	v5 =	vor.u32 s24, v0  }
0x3d: {  	s25 =	simm.s32 $0x110;
	v1 =	vld [tilespmem:s26+$0xFFFFFFF0];
	v15, v16, _ =	vpop (xrf1);
	(xrf1) =	vsort.dscd.msk.f32 $0xffff, v4, v14  }
0x3e: {  	vm0 =	vlt.f32 v10, v3;
	s26 =	simm.s32 $0x130;
	v4 =	vor.u32 s25, v0;
	v14, v17, _ =	vpop (xrf1);
	(xrf1) =	vsort.ascd.msk.f32 $0xffff, v9, v5  }
0x3f: {  	v3 =	vsel vm0, v10, v3;
	vm1 =	vlt.f32 v15, v2;
	v5, v9, _ =	vpop (xrf1);
	(xrf1) =	vsort.dscd.msk.f32 $0xffff, v11, v4;
	v4 =	vor.u32 s26, v0  }
0x40: {  	v2 =	vsel vm1, v15, v2;
	v12 =	vsel vm1, v16, v12;
	vm1 =	vlt.f32 v5, v7;
	v10, v11, _ =	vpop (xrf1)  }
0x41: {  	(xrf1) =	vsort.ascd.msk.f32 $0xffff, v2, v12;
	v2 =	vsel vm0, v13, v6;
	v5 =	vsel vm1, v5, v7;
	v6, v7, _ =	vpop (xrf1)  }
0x42: {  	(xrf1) =	vsort.dscd.msk.f32 $0xffff, v1, v4;
	v1 =	vsel vm1, v9, v8;
	vm0 =	vlt.f32 v6, v14;
	v4, v8, _ =	vpop (xrf1)  }
0x43: {  	(xrf1) =	vsort.dscd.msk.f32 $0xffff, v3, v2;
	v2 =	vsel vm0, v6, v14;
	v3 =	vsel vm0, v7, v17;
	v6, v7, _ =	vpop (xrf1)  }
0x44: {  	s28 =	simm.s32 $0x1C0;
	(xrf1) =	vsort.ascd.msk.f32 $0xffff, v5, v1;
	v5, v9, _ =	vpop (xrf1)  }
0x45: {  	v1 =	vld [tilespmem:s28+$0xFFFFFFC0];
	vm0 =	vlt.f32 v5, v6  }
0x46: {  	(xrf1) =	vsort.dscd.msk.f32 $0xffff, v2, v3;
	v2 =	vld [tilespmem:s28+$0x20];
	v5 =	vsel vm0, v5, v6;
	v6 =	vsel vm0, v9, v7  }
0x47: {  	vm1 =	vlt.f32 v4, v10;
	v3 =	vld [tilespmem:s28+$0x30]  }
0x48: {  	s29 =	simm.s32 $0x180;
	v4 =	vsel vm1, v4, v10;
	v7 =	vsel vm1, v8, v11;
	v8 =	vld [tilespmem:s28+$0x0];
	v9, v10, _ =	vpop (xrf1);
	(xrf1) =	vsort.ascd.msk.f32 $0xffff, v5, v6  }
0x49: {  	s30 =	simm.s32 $0x1E0;
	s31 =	simm.s32 $0x1F0;
	v12 =	vld [tilespmem:s28+$0x10];
	v5 =	vor.u32 s29, v0;
	v6, v11, _ =	vpop (xrf1);
	(xrf1) =	vsort.dscd.msk.f32 $0xffff, v4, v7  }
0x4a: {  	v16 =	vor.u32 s31, v0;
	v4 =	vld [tilespmem:s28+$0xFFFFFFE0];
	v7 =	vor.u32 s30, v0;
	v13, v14, _ =	vpop (xrf1);
	(xrf1) =	vsort.ascd.msk.f32 $0xffff, v1, v5  }
0x4b: {  	s24 =	simm.s32 $0x1C0;
	(xrf1) =	vsort.ascd.msk.f32 $0xffff, v2, v7  }
0x4c: {  	s25 =	simm.s32 $0x1D0;
	v5, v15, _ =	vpop (xrf1);
	v2 =	vor.u32 s24, v0;
	(xrf1) =	vsort.dscd.msk.f32 $0xffff, v3, v16  }
0x4d: {  	v18 =	vor.u32 s25, v0;
	s26 =	simm.s32 $0x1A0;
	v1 =	vld [tilespmem:s28+$0xFFFFFFD0];
	v7, v17, _ =	vpop (xrf1);
	(xrf1) =	vsort.ascd.msk.f32 $0xffff, v8, v2  }
0x4e: {  	v3, v16, _ =	vpop (xrf1);
	v8 =	vor.u32 s26, v0;
	vm1 =	vlt.f32 v7, v5;
	(xrf1) =	vsort.dscd.msk.f32 $0xffff, v12, v18  }
0x4f: {  	s29 =	simm.s32 $0x1B0;
	v2 =	vld [tilespmem:s28+$0xFFFFFFF0];
	v19, v20, _ =	vpop (xrf1);
	(xrf1) =	vsort.ascd.msk.f32 $0xffff, v4, v8;
	v4 =	vsel vm1, v7, v5;
	v5 =	vsel vm1, v17, v15  }
0x50: {  	vm0 =	vlt.f32 v13, v6;
	s28 =	simm.s32 $0x190;
	v8 =	vor.u32 s29, v0  }
0x51: {  	v6 =	vsel vm0, v13, v6;
	v11 =	vsel vm0, v14, v11;
	v12 =	vor.u32 s28, v0;
	v13, v18, _ =	vpop (xrf1)  }
0x52: {  	vm1 =	vlt.f32 v19, v9;
	(xrf1) =	vsort.dscd.msk.f32 $0xffff, v1, v12;
	v1, v7, _ =	vpop (xrf1)  }
0x53: {  	v9 =	vsel vm1, v19, v9;
	(xrf1) =	vsort.ascd.msk.f32 $0xffff, v4, v5;
	v4, v5, _ =	vpop (xrf1)  }
0x54: {  	v10 =	vsel vm1, v20, v10;
	vm0 =	vlt.f32 v1, v3;
	(xrf1) =	vsort.dscd.msk.f32 $0xffff, v2, v8;
	v2, v8, _ =	vpop (xrf1)  }
0x55: {  	v1 =	vsel vm0, v1, v3;
	v7 =	vsel vm0, v7, v16;
	(xrf1) =	vsort.dscd.msk.f32 $0xffff, v6, v11;
	v6, v11, _ =	vpop (xrf1)  }
0x56: {  	s30 =	simm.s32 $0x240;
	vm1 =	vlt.f32 v4, v13;
	(xrf1) =	vsort.ascd.msk.f32 $0xffff, v9, v10;
	vm0 =	vlt.f32 v6, v2  }
0x57: {  	v3 =	vld [tilespmem:s30+$0xFFFFFFC0];
	(xrf1) =	vsort.dscd.msk.f32 $0xffff, v1, v7;
	v1 =	vsel vm0, v6, v2;
	v2 =	vsel vm0, v11, v8  }
0x58: {  	s31 =	simm.s32 $0x200;
	v12 =	vld [tilespmem:s30+$0x20];
	v5 =	vsel vm1, v5, v18  }
0x59: {  	v10 =	vor.u32 s31, v0;
	v4 =	vsel vm1, v4, v13  }
0x5a: {  	s23 =	simm.s32 $0x260;
	s24 =	simm.s32 $0x270;
	v9 =	vld [tilespmem:s30+$0x30];
	v6, v7, _ =	vpop (xrf1);
	(xrf1) =	vsort.ascd.msk.f32 $0xffff, v1, v2  }
0x5b: {  	v14 =	vor.u32 s23, v0;
	v16 =	vor.u32 s24, v0;
	v8 =	vld [tilespmem:s30+$0x0];
	(xrf1) =	vsort.dscd.msk.f32 $0xffff, v4, v5;
	v1, v2, _ =	vpop (xrf1)  }
0x5c: {  	s25 =	simm.s32 $0x240;
	v11 =	vld [tilespmem:s30+$0x10];
	(xrf1) =	vsort.ascd.msk.f32 $0xffff, v3, v10;
	v4, v5, _ =	vpop (xrf1)  }
0x5d: {  	v13 =	vld [tilespmem:s30+$0xFFFFFFE0];
	(xrf1) =	vsort.ascd.msk.f32 $0xffff, v12, v14;
	v12 =	vor.u32 s25, v0;
	v3, v10, _ =	vpop (xrf1)  }
0x5e: {  	v15 =	vld [tilespmem:s30+$0xFFFFFFD0];
	v14, v17, _ =	vpop (xrf1)  }
0x5f: {  	s26 =	simm.s32 $0x250;
	s28 =	simm.s32 $0x220;
	(xrf1) =	vsort.dscd.msk.f32 $0xffff, v9, v16;
	v9, v16, _ =	vpop (xrf1)  }
0x60: {  	v18 =	vor.u32 s26, v0;
	(xrf1) =	vsort.ascd.msk.f32 $0xffff, v8, v12;
	v8 =	vor.u32 s28, v0;
	v12, v19, _ =	vpop (xrf1)  }
0x61: {  	s29 =	simm.s32 $0x210;
	(xrf1) =	vsort.dscd.msk.f32 $0xffff, v11, v18;
	v11 =	vld [tilespmem:s30+$0xFFFFFFF0];
	vm1 =	vlt.f32 v12, v9  }
0x62: {  	v18 =	vor.u32 s29, v0;
	v61, v21, _ =	vpop (xrf1);
	(xrf1) =	vsort.ascd.msk.f32 $0xffff, v13, v8;
	v9 =	vsel vm1, v12, v9;
	v12 =	vsel vm1, v19, v16  }
0x63: {  	vm0 =	vlt.f32 v1, v6;
	v8, v13, _ =	vpop (xrf1);
	(xrf1) =	vsort.dscd.msk.f32 $0xffff, v15, v18  }
0x64: {  	v1 =	vsel vm0, v1, v6;
	v2 =	vsel vm0, v2, v7;
	s30 =	simm.s32 $0x230;
	v6, v7, _ =	vpop (xrf1);
	(xrf1) =	vsort.ascd.msk.f32 $0xffff, v9, v12  }
0x65: {  	vm0 =	vlt.f32 v14, v3;
	v9 =	vor.u32 s30, v0;
	v12, v15, _ =	vpop (xrf1);
	(xrf1) =	vsort.dscd.msk.f32 $0xffff, v1, v2  }
0x66: {  	v1 =	vsel vm0, v14, v3;
	v2 =	vsel vm0, v17, v10;
	(xrf1) =	vsort.dscd.msk.f32 $0xffff, v11, v9  }
0x67: {  	vm0 =	vlt.f32 v8, v4;
	v3, v10, _ =	vpop (xrf1);
	(xrf1) =	vsort.dscd.msk.f32 $0xffff, v1, v2  }
0x68: {  	s31 =	simm.s32 $0x2C0;
	v9, v11, _ =	vpop (xrf1);
	v1 =	vsel vm0, v8, v4;
	v2 =	vsel vm0, v13, v5;
	vm0 =	vlt.f32 v12, v61  }
0x69: {  	vm1 =	vlt.f32 v3, v6;
	v4, v5, _ =	vpop (xrf1);
	v8 =	vsel vm0, v12, v61;
	v12 =	vld [tilespmem:s31+$0xFFFFFFC0]  }
0x6a: {  	(xrf1) =	vsort.ascd.msk.f32 $0xffff, v1, v2;
	v1 =	vsel vm0, v15, v21;
	v2 =	vld [tilespmem:s31+$0x20];
	v13, v14, _ =	vpop (xrf1);
	vm0 =	vlt.f32 v4, v9  }
0x6b: {  	v17 =	vld [tilespmem:s31+$0x30];
	(xrf1) =	vsort.dscd.msk.f32 $0xffff, v8, v1;
	v15, v16, _ =	vpop (xrf1);
	v1 =	vsel vm0, v4, v9;
	v4 =	vsel vm0, v5, v11  }
0x6c: {  	s23 =	simm.s32 $0x280;
	v3 =	vsel vm1, v3, v6;
	v5 =	vsel vm1, v10, v7;
	v18, v19, _ =	vpop (xrf1);
	(xrf1) =	vsort.ascd.msk.f32 $0xffff, v1, v4  }
0x6d: {  	s24 =	simm.s32 $0x2E0;
	v6 =	vld [tilespmem:s31+$0x0];
	v1 =	vor.u32 s23, v0;
	v7, v8, _ =	vpop (xrf1);
	(xrf1) =	vsort.dscd.msk.f32 $0xffff, v3, v5  }
0x6e: {  	s25 =	simm.s32 $0x2F0;
	v9 =	vld [tilespmem:s31+$0x10];
	v3 =	vor.u32 s24, v0;
	v4, v10, _ =	vpop (xrf1);
	(xrf1) =	vsort.ascd.msk.f32 $0xffff, v12, v1  }
0x6f: {  	s28 =	simm.s32 $0x2D0;
	v5 =	vld [tilespmem:s31+$0xFFFFFFE0];
	v1 =	vor.u32 s25, v0;
	v11, v12, _ =	vpop (xrf1);
	(xrf1) =	vsort.ascd.msk.f32 $0xffff, v2, v3  }
0x70: {  	s26 =	simm.s32 $0x2C0;
	v62 =	vld [tilespmem:s31+$0xFFFFFFD0];
	vm0 =	vlt.f32 v15, v13;
	v63, v22, _ =	vpop (xrf1);
	(xrf1) =	vsort.dscd.msk.f32 $0xffff, v17, v1;
	v1 =	vor.u32 s28, v0  }
0x71: {  	v13 =	vsel vm0, v15, v13;
	v3 =	vor.u32 s26, v0;
	vm1 =	vlt.f32 v4, v7  }
0x72: {  	s29 =	simm.s32 $0x2A0;
	v14 =	vsel vm0, v16, v14;
	v2 =	vsel vm1, v4, v7;
	v17, v23, _ =	vpop (xrf1);
	(xrf1) =	vsort.ascd.msk.f32 $0xffff, v6, v3  }
0x73: {  	s30 =	simm.s32 $0x290;
	v4 =	vsel vm1, v10, v8;
	v8 =	vor.u32 s29, v0;
	vm0 =	vlt.f32 v63, v11;
	v6, v7, _ =	vpop (xrf1);
	(xrf1) =	vsort.dscd.msk.f32 $0xffff, v9, v1  }
0x74: {  	v10 =	vor.u32 s30, v0;
	v12 =	vsel vm0, v22, v12;
	v3, v1, _ =	vpop (xrf1);
	(xrf1) =	vsort.ascd.msk.f32 $0xffff, v5, v8  }
0x75: {  	v24 =	vld [tilespmem:s31+$0xFFFFFFF0];
	s31 =	simm.s32 $0x2B0;
	vm1 =	vlt.f32 v6, v18;
	v8 =	vsel vm0, v63, v11;
	v11, v9, _ =	vpop (xrf1);
	(xrf1) =	vsort.dscd.msk.f32 $0xffff, v62, v10  }
0x76: {  	v5 =	vsel vm1, v6, v18;
	v16, v18, _ =	vpop (xrf1);
	(xrf1) =	vsort.ascd.msk.f32 $0xffff, v8, v12;
	v12 =	vor.u32 s31, v0;
	_ =	sdelay $0x1  }
0x77: {  	v6 =	vsel vm1, v7, v19;
	vm1 =	vlt.f32 v16, v17;
	v10, v7, _ =	vpop (xrf1);
	(xrf1) =	vsort.dscd.msk.f32 $0xffff, v13, v14  }
0x78: {  	v15 =	vimm.f32 $+Inf;
	v8 =	vsel vm1, v16, v17;
	vm0 =	vlt.f32 v10, v3  }
0x79: {  	s21 =	simm.s32 $0x370;
	s22 =	simm.s32 $0x340;
	v16 =	vimm.s32 $0x0;
	(xrf1) =	vsort.dscd.msk.f32 $0xffff, v24, v12;
	v14 =	vsel vm1, v18, v23;
	vm1 =	vlt.f32 v11, v15;
	v13, v12, _ =	vpop (xrf1)  }
.LBB2_3:
0x7a: {  	v17 =	vld [tilespmem:s22+$0xFFFFFFC0];
	p0 =	sne.s32 s21, $0x7F0;
	(xrf1) =	vsort.dscd.msk.f32 $0xffff, v2, v4;
	v2, v4, _ =	vpop (xrf1);
	v11 =	vsel vm1, v11, v15;
	v9 =	vsel vm1, v9, v16;
	s23 =	smov.u32 s21;
	s21 =	sadd.s32 $0x80, s21  }
0x7b: {  	v3 =	vsel vm0, v10, v3;
	v1 =	vsel vm0, v7, v1;
	v15 =	vld [tilespmem:s22+$0x20];
	v7, v10, _ =	vpop (xrf1);
	(xrf1) =	vsort.ascd.msk.f32 $0xffff, v11, v9  }
0x7c: {  	vm0 =	vlt.f32 v2, v13;
	v9 =	vld [tilespmem:s22+$0x30];
	(xrf1) =	vsort.ascd.msk.f32 $0xffff, v5, v6;
	v5, v6, _ =	vpop (xrf1)  }
0x7d: {  	s24 =	sadd.s32 $0xFFFFFF90, s23;
	v2 =	vsel vm0, v2, v13;
	v23 =	vsel vm0, v4, v12;
	v11 =	vld [tilespmem:s22+$0x0];
	v16, v18, _ =	vpop (xrf1);
	(xrf1) =	vsort.dscd.msk.f32 $0xffff, v8, v14  }
0x7e: {  	s25 =	sadd.s32 $0xFFFFFFD0, s23;
	s26 =	sadd.s32 $0xFFFFFFF0, s23;
	v25 =	vor.u32 s24, v0;
	s24 =	sadd.s32 $0xFFFFFFA0, s23;
	vm0 =	vlt.f32 v5, v7;
	v12 =	vld [tilespmem:s22+$0xFFFFFFE0];
	v13, v14, _ =	vpop (xrf1);
	(xrf1) =	vsort.ascd.msk.f32 $0xffff, v2, v23  }
0x7f: {  	v20 =	vor.u32 s25, v0;
	v19 =	vor.u32 s24, v0;
	s24 =	sadd.s32 $0xFFFFFFB0, s23;
	v2 =	vor.u32 s26, v0;
	v21 =	vld [tilespmem:s22+$0x10];
	v4, v22, _ =	vpop (xrf1);
	(xrf1) =	vsort.dscd.msk.f32 $0xffff, v3, v1  }
0x80: {  	v24 =	vor.u32 s24, v0;
	s24 =	sadd.s32 $0xFFFFFFC0, s23;
	v23 =	vld [tilespmem:s22+$0xFFFFFFD0];
	(xrf1) =	vsort.ascd.msk.f32 $0xffff, v17, v25;
	vm1 =	vlt.f32 v4, v13;
	v8, v17, _ =	vpop (xrf1);
	v25 =	vsel vm0, v5, v7  }
0x81: {  	v27 =	vor.u32 s23, v0;
	v26 =	vor.u32 s24, v0;
	(xrf1) =	vsort.ascd.msk.f32 $0xffff, v15, v2;
	v2 =	vsel vm1, v4, v13;
	v5, v7, _ =	vpop (xrf1)  }
0x82: {  	s23 =	sadd.s32 $0xFFFFFFE0, s23;
	v4 =	vsel vm1, v22, v14;
	v15 =	vsel vm0, v6, v10;
	(xrf1) =	vsort.dscd.msk.f32 $0xffff, v9, v27;
	v13, v14, _ =	vpop (xrf1)  }
0x83: {  	v22 =	vor.u32 s23, v0;
	(xrf1) =	vsort.ascd.msk.f32 $0xffff, v11, v20;
	v6, v10, _ =	vpop (xrf1)  }
0x84: {  	vm1 =	vlt.f32 v5, v8;
	(xrf1) =	vsort.dscd.msk.f32 $0xffff, v21, v22;
	vm0 =	vlt.f32 v6, v16;
	v3, v1, _ =	vpop (xrf1)  }
0x85: {  	v8 =	vsel vm1, v5, v8;
	v21 =	vsel vm1, v7, v17;
	v20 =	vld [tilespmem:s22+$0xFFFFFFF0];
	(xrf1) =	vsort.ascd.msk.f32 $0xffff, v12, v24;
	v11, v9, _ =	vpop (xrf1)  }
.Ltmp0:
0x86: {  	v5 =	vsel vm0, v6, v16;
	v6 =	vsel vm0, v10, v18;
	(xrf1) =	vsort.dscd.msk.f32 $0xffff, v23, v19;
	(pc) =	sbr.rel @p0 .LBB2_3-.Ltmp0, $4  }
0x87: {  	v12, v17, _ =	vpop (xrf1);
	(xrf1) =	vsort.ascd.msk.f32 $0xffff, v8, v21  }
0x88: {  	vm1 =	vlt.f32 v12, v13;
	v10, v7, _ =	vpop (xrf1);
	(xrf1) =	vsort.dscd.msk.f32 $0xffff, v25, v15  }
0x89: {  	v8 =	vsel vm1, v12, v13;
	vm0 =	vlt.f32 v10, v3;
	v15, v16, _ =	vpop (xrf1)  }
0x8a: {  	s22 =	sadd.s32 $0x80, s22;
	v14 =	vsel vm1, v17, v14;
	(xrf1) =	vsort.dscd.msk.f32 $0xffff, v20, v26;
	v13, v12, _ =	vpop (xrf1);
	vm1 =	vlt.f32 v11, v15  }
0x8b: {  	(xrf1) =	vsort.dscd.msk.f32 $0xffff, v2, v4;
	v4 =	vsel vm1, v9, v16  }
0x8c: {  	v2 =	vsel vm1, v11, v15;
	_ =	sdelay $0x1  }
0x8d: {  	v9, v11, _ =	vpop (xrf1);
	(xrf1) =	vsort.ascd.msk.f32 $0xffff, v2, v4  }
0x8e: {  	v2, v4, _ =	vpop (xrf1)  }
0x8f: {  	v15, v16, _ =	vpop (xrf1)  }
0x90: {  	v17, v18, _ =	vpop (xrf1)  }
0x91: {  	v19, v20, _ =	vpop (xrf1)  }
0x92: {  	v21, v22, _ =	vpop (xrf1)  }
0x93: {  	vm1 =	vlt.f32 v9, v13;
	v23, v24, _ =	vpop (xrf1)  }
0x94: {  	v9 =	vsel vm1, v9, v13;
	v25, v26, _ =	vpop (xrf1)  }
0x95: {  	v3 =	vsel vm0, v10, v3;
	v10 =	vsel vm1, v11, v12;
	(xrf1) =	vsort.ascd.msk.f32 $0xffff, v5, v6;
	v5, v6, _ =	vpop (xrf1)  }
0x96: {  	v1 =	vsel vm0, v7, v1;
	(xrf1) =	vsort.dscd.msk.f32 $0xffff, v8, v14;
	vm0 =	vlt.f32 v25, v23;
	v8, v14, _ =	vpop (xrf1)  }
0x97: {  	(xrf1) =	vsort.ascd.msk.f32 $0xffff, v9, v10;
	v13 =	vsel vm0, v26, v24;
	v11, v12, _ =	vpop (xrf1)  }
0x98: {  	(xrf1) =	vsort.dscd.msk.f32 $0xffff, v3, v1;
	v1 =	vsel vm0, v25, v23;
	v7, v9, _ =	vpop (xrf1)  }
0x99: {  	vm1 =	vlt.f32 v15, v2;
	v3, v10, _ =	vpop (xrf1)  }
0x9a: {  	v2 =	vsel vm1, v15, v2;
	vm0 =	vlt.f32 v21, v19;
	v15, v55, _ =	vpop (xrf1)  }
0x9b: {  	v4 =	vsel vm1, v16, v4;
	v19 =	vsel vm0, v21, v19;
	(xrf1) =	vsort.ascd.msk.f32 $0xffff, v1, v13;
	v1, v13, _ =	vpop (xrf1)  }
0x9c: {  	v16 =	vsel vm0, v22, v20;
	(xrf1) =	vsort.dscd.msk.f32 $0xffff, v2, v4;
	vm0 =	vlt.f32 v7, v1  }
0x9d: {  	(xrf1) =	vsort.dscd.msk.f32 $0xffff, v19, v16;
	v1 =	vsel vm0, v7, v1;
	v2 =	vsel vm0, v9, v13  }
0x9e: {  	(xrf1) =	vsort.ascd.msk.f32 $0xffff, v1, v2;
	_ =	sdelay $0x5  }
0x9f: {  	vm1 =	vlt.f32 v3, v5;
	v1, v2, _ =	vpop (xrf1)  }
0xa0: {  	v3 =	vsel vm1, v3, v5;
	v6 =	vsel vm1, v10, v6;
	vm0 =	vlt.f32 v8, v17;
	v4, v7, _ =	vpop (xrf1)  }
0xa1: {  	v8 =	vsel vm0, v8, v17;
	v14 =	vsel vm0, v14, v18;
	vm1 =	vlt.f32 v4, v1  }
0xa2: {  	vm0 =	vlt.f32 v15, v11;
	(xrf1) =	vsort.ascd.msk.f32 $0xffff, v8, v14;
	v9, v13, _ =	vpop (xrf1);
	v2 =	vsel vm1, v7, v2  }
0xa3: {  	(xrf1) =	vsort.dscd.msk.f32 $0xffff, v3, v6;
	v5, v16, _ =	vpop (xrf1);
	v1 =	vsel vm1, v4, v1;
	v7 =	vsel vm0, v55, v12  }
0xa4: {  	v6 =	vsel vm0, v15, v11;
	v8, v10, _ =	vpop (xrf1)  }
0xa5: {  	v3, v4, _ =	vpop (xrf1)  }
0xa6: {  	(xrf1) =	vsort.ascd.msk.f32 $0xffff, v1, v2;
	v1, v2, _ =	vpop (xrf1)  }
0xa7: {  	vm0 =	vlt.f32 v5, v9;
	(xrf1) =	vsort.dscd.msk.f32 $0xffff, v6, v7;
	v6, v7, _ =	vpop (xrf1)  }
0xa8: {  	v5 =	vsel vm0, v5, v9;
	v9 =	vsel vm0, v16, v13;
	vm0 =	vlt.f32 v3, v6  }
0xa9: {  	(xrf1) =	vsort.dscd.msk.f32 $0xffff, v5, v9;
	v3 =	vsel vm0, v3, v6;
	v4 =	vsel vm0, v4, v7  }
0xaa: {  	(xrf1) =	vsort.ascd.msk.f32 $0xffff, v3, v4;
	_ =	sdelay $0x5  }
0xab: {  	v3, v4, _ =	vpop (xrf1)  }
0xac: {  	v5, v6, _ =	vpop (xrf1)  }
0xad: {  	vm0 =	vlt.f32 v5, v3  }
0xae: {  	vm1 =	vlt.f32 v1, v8;
	v4 =	vsel vm0, v6, v4  }
0xaf: {  	v2 =	vsel vm1, v2, v10;
	v3 =	vsel vm0, v5, v3  }
0xb0: {  	v1 =	vsel vm1, v1, v8;
	v7, v9, _ =	vpop (xrf1)  }
0xb1: {  	v11, v12, _ =	vpop (xrf1)  }
0xb2: {  	(xrf1) =	vsort.ascd.msk.f32 $0xffff, v3, v4;
	v3, v4, _ =	vpop (xrf1)  }
0xb3: {  	vm0 =	vlt.f32 v11, v7;
	(xrf1) =	vsort.dscd.msk.f32 $0xffff, v1, v2;
	v1, v2, _ =	vpop (xrf1)  }
0xb4: {  	v5 =	vsel vm0, v11, v7;
	v6 =	vsel vm0, v12, v9;
	vm0 =	vlt.f32 v3, v1  }
0xb5: {  	(xrf1) =	vsort.dscd.msk.f32 $0xffff, v5, v6;
	v1 =	vsel vm0, v3, v1;
	v2 =	vsel vm0, v4, v2  }
0xb6: {  	(xrf1) =	vsort.ascd.msk.f32 $0xffff, v1, v2;
	_ =	sdelay $0xa  }
0xb7: {  	v1, v2, _ =	vpop (xrf1)  }
0xb8: {  	v3, v4, _ =	vpop (xrf1)  }
0xb9: {  	v5, v6, _ =	vpop (xrf1)  }
0xba: {  	vm0 =	vlt.f32 v3, v1;
	v7, v8, _ =	vpop (xrf1)  }
0xbb: {  	v1 =	vsel vm0, v3, v1;
	v2 =	vsel vm0, v4, v2;
	vm0 =	vlt.f32 v5, v7  }
0xbc: {  	(xrf1) =	vsort.dscd.msk.f32 $0xffff, v1, v2;
	v1 =	vsel vm0, v5, v7;
	v2 =	vsel vm0, v6, v8  }
0xbd: {  	(xrf1) =	vsort.ascd.msk.f32 $0xffff, v1, v2;
	_ =	sdelay $0xc  }
0xbe: {  	v1, v2, _ =	vpop (xrf1)  }
0xbf: {  	v3, v4, _ =	vpop (xrf1)  }
0xc0: {  	vm0 =	vlt.f32 v1, v3  }
0xc1: {  	v1 =	vsel vm0, v1, v3;
	v2 =	vsel vm0, v2, v4  }
0xc2: {  	(xrf1) =	vsort.ascd.msk.f32 $0xffff, v1, v2;
	_ =	sdelay $0xd  }
0xc3: {  	v1, v2, _ =	vpop (xrf1)  }
0xc4: {  	s21 =	sshll.u32 s20, $0x1;
	[tilespmem:$0x1000] =	vst v2  }
0xc5: {  	s22 =	sadd.s32 s1, s21;
	[tilespmem:$0x1080] =	vst v1  }
0xc6: {  	[hbm4b:s22+s3] =	stream.linear.scatter [tilespmem:s13], [sflag:$0x3], $0x10, $0x38;
	[tilespmem:$0x1100] =	vst v63  }
0xc7: {  	s29 =	smin.u32 s20, $0x7FD;
	_ =	swait.ge [sflag:s14], $0x10  }
0xc8: {  	s20 =	sadd.s32 $0x2, s29;
	[sflag:s14] =	ssyncset.done $0x0  }
0xc9: {  	s21 =	sadd.s32 s6, s21;
	s30 =	sshll.u32 s20, $0x4;
	[sflag:s14] =	ssyncadd.s32 $0xFFFFFFF0  }
0xca: {  	[hbm4b:s21+s3] =	stream.linear.scatter [tilespmem:s15], [sflag:$0x3], $0x10, $0x38;
	[tilespmem:$0x1100] =	vst v63  }
0xcb: {  	s20 =	sshll.u32 s20, $0x8;
	s21 =	sand.u32 $0x70, s30;
	_ =	swait.ge [sflag:s14], $0x10  }
0xcc: {  	s20 =	sand.u32 $0xFF800, s20;
	s21 =	sadd.s32 s5, s21;
	[sflag:s14] =	ssyncset.done $0x0  }
0xcd: {  	s20 =	sadd.s32 s20, s21;
	[sflag:s14] =	ssyncadd.s32 $0xFFFFFFF0  }
0xce: {  	[tilespmem:s3], [sflag:$0x1] =	stream.strided.gather [hbm4b:s20+s9], $0x800, s10, s9, $0x38;
	[tilespmem:$0x1100] =	vst v63  }
0xcf: {  	_ =	swait.ge [sflag:s16], $0x800  }
0xd0: {  	[sflag:s16] =	ssyncset.done $0x0  }
0xd1: {  	s31 =	simm.s32 $0x840;
	[sflag:s16] =	ssyncadd.s32 $0xFFFFF800  }
0xd2: {  	v1 =	vld [tilespmem:s31+$0xFFFFFFC0]  }
0xd3: {  	v2 =	vld [tilespmem:s31+$0x20]  }
0xd4: {  	v3 =	vld [tilespmem:s31+$0x30]  }
0xd5: {  	s22 =	simm.s32 $0x0;
	v4 =	vld [tilespmem:s31+$0x0]  }
0xd6: {  	s23 =	simm.s32 $0x60;
	v5 =	vor.u32 s22, v0;
	v6 =	vld [tilespmem:s31+$0x10]  }
0xd7: {  	s24 =	simm.s32 $0x70;
	v8 =	vor.u32 s23, v0;
	v7 =	vld [tilespmem:s31+$0xFFFFFFE0];
	(xrf1) =	vsort.ascd.msk.f32 $0xffff, v1, v5  }
0xd8: {  	s25 =	simm.s32 $0x40;
	v1 =	vld [tilespmem:s31+$0xFFFFFFD0];
	v5 =	vor.u32 s24, v0;
	(xrf1) =	vsort.ascd.msk.f32 $0xffff, v2, v8  }
0xd9: {  	s26 =	simm.s32 $0x50;
	v2 =	vor.u32 s25, v0;
	(xrf1) =	vsort.dscd.msk.f32 $0xffff, v3, v5  }
0xda: {  	s28 =	simm.s32 $0x20;
	v3 =	vor.u32 s26, v0;
	(xrf1) =	vsort.ascd.msk.f32 $0xffff, v4, v2;
	v2 =	vld [tilespmem:s31+$0xFFFFFFF0]  }
0xdb: {  	s29 =	simm.s32 $0x10;
	v4 =	vor.u32 s28, v0;
	(xrf1) =	vsort.dscd.msk.f32 $0xffff, v6, v3  }
0xdc: {  	v3 =	vor.u32 s29, v0;
	(xrf1) =	vsort.ascd.msk.f32 $0xffff, v7, v4  }
0xdd: {  	s30 =	simm.s32 $0x30;
	(xrf1) =	vsort.dscd.msk.f32 $0xffff, v1, v3  }
0xde: {  	v1 =	vor.u32 s30, v0  }
0xdf: {  	s31 =	simm.s32 $0x8C0;
	(xrf1) =	vsort.dscd.msk.f32 $0xffff, v2, v1  }
0xe0: {  	v1 =	vld [tilespmem:s31+$0xFFFFFFC0]  }
0xe1: {  	s22 =	simm.s32 $0x80;
	v2 =	vld [tilespmem:s31+$0x20]  }
0xe2: {  	v5 =	vor.u32 s22, v0;
	v3 =	vld [tilespmem:s31+$0x30]  }
0xe3: {  	s23 =	simm.s32 $0xE0;
	s24 =	simm.s32 $0xF0;
	v4 =	vld [tilespmem:s31+$0x0]  }
0xe4: {  	v10 =	vor.u32 s23, v0;
	v12 =	vor.u32 s24, v0;
	v6 =	vld [tilespmem:s31+$0x10]  }
0xe5: {  	v9 =	vld [tilespmem:s31+$0xFFFFFFE0];
	(xrf1) =	vsort.ascd.msk.f32 $0xffff, v1, v5;
	v7, v8, _ =	vpop (xrf1)  }
0xe6: {  	s25 =	simm.s32 $0xC0;
	s26 =	simm.s32 $0xD0;
	v11 =	vld [tilespmem:s31+$0xFFFFFFD0];
	(xrf1) =	vsort.ascd.msk.f32 $0xffff, v2, v10;
	v1, v5, _ =	vpop (xrf1)  }
0xe7: {  	s28 =	simm.s32 $0xA0;
	v14 =	vor.u32 s26, v0;
	v2 =	vor.u32 s25, v0;
	(xrf1) =	vsort.dscd.msk.f32 $0xffff, v3, v12;
	v10, v13, _ =	vpop (xrf1)  }
0xe8: {  	(xrf1) =	vsort.ascd.msk.f32 $0xffff, v4, v2;
	v2 =	vld [tilespmem:s31+$0xFFFFFFF0];
	v4 =	vor.u32 s28, v0;
	v3, v12, _ =	vpop (xrf1)  }
0xe9: {  	s29 =	simm.s32 $0x90;
	(xrf1) =	vsort.dscd.msk.f32 $0xffff, v6, v14;
	v15, v16, _ =	vpop (xrf1)  }
0xea: {  	v6 =	vor.u32 s29, v0;
	vm0 =	vlt.f32 v10, v1;
	(xrf1) =	vsort.ascd.msk.f32 $0xffff, v9, v4;
	v14, v17, _ =	vpop (xrf1);
	vm1 =	vlt.f32 v15, v3  }
0xeb: {  	s30 =	simm.s32 $0xB0;
	(xrf1) =	vsort.dscd.msk.f32 $0xffff, v11, v6;
	v4, v9, _ =	vpop (xrf1);
	v3 =	vsel vm1, v15, v3;
	v12 =	vsel vm1, v16, v12  }
0xec: {  	v1 =	vsel vm0, v10, v1;
	v6 =	vor.u32 s30, v0;
	vm1 =	vlt.f32 v4, v7;
	(xrf1) =	vsort.ascd.msk.f32 $0xffff, v3, v12  }
0xed: {  	s31 =	simm.s32 $0x940;
	v3 =	vsel vm0, v13, v5;
	v4 =	vsel vm1, v4, v7;
	v5, v7, _ =	vpop (xrf1);
	(xrf1) =	vsort.dscd.msk.f32 $0xffff, v2, v6  }
0xee: {  	v2 =	vsel vm1, v9, v8;
	v6 =	vld [tilespmem:s31+$0xFFFFFFC0];
	vm0 =	vlt.f32 v5, v14;
	(xrf1) =	vsort.dscd.msk.f32 $0xffff, v1, v3  }
0xef: {  	v1 =	vsel vm0, v5, v14;
	v3 =	vsel vm0, v7, v17;
	v5 =	vld [tilespmem:s31+$0x20];
	(xrf1) =	vsort.ascd.msk.f32 $0xffff, v4, v2  }
0xf0: {  	s22 =	simm.s32 $0x100;
	v2 =	vld [tilespmem:s31+$0x30];
	(xrf1) =	vsort.dscd.msk.f32 $0xffff, v1, v3  }
0xf1: {  	s23 =	simm.s32 $0x160;
	s24 =	simm.s32 $0x170;
	v1 =	vld [tilespmem:s31+$0x0];
	v3 =	vor.u32 s22, v0  }
0xf2: {  	v10 =	vor.u32 s23, v0;
	v12 =	vor.u32 s24, v0;
	v4 =	vld [tilespmem:s31+$0x10]  }
0xf3: {  	v9 =	vld [tilespmem:s31+$0xFFFFFFE0];
	v7, v8, _ =	vpop (xrf1);
	(xrf1) =	vsort.ascd.msk.f32 $0xffff, v6, v3  }
0xf4: {  	s26 =	simm.s32 $0x150;
	s25 =	simm.s32 $0x140;
	v11 =	vld [tilespmem:s31+$0xFFFFFFD0];
	v3, v6, _ =	vpop (xrf1);
	(xrf1) =	vsort.ascd.msk.f32 $0xffff, v5, v10  }
0xf5: {  	s28 =	simm.s32 $0x120;
	v14 =	vor.u32 s26, v0;
	v5 =	vor.u32 s25, v0;
	v10, v13, _ =	vpop (xrf1);
	(xrf1) =	vsort.dscd.msk.f32 $0xffff, v2, v12  }
0xf6: {  	v2, v12, _ =	vpop (xrf1);
	(xrf1) =	vsort.ascd.msk.f32 $0xffff, v1, v5;
	v5 =	vor.u32 s28, v0  }
0xf7: {  	s29 =	simm.s32 $0x110;
	v1 =	vld [tilespmem:s31+$0xFFFFFFF0];
	v15, v16, _ =	vpop (xrf1);
	(xrf1) =	vsort.dscd.msk.f32 $0xffff, v4, v14  }
0xf8: {  	s30 =	simm.s32 $0x130;
	vm0 =	vlt.f32 v10, v3;
	v4 =	vor.u32 s29, v0;
	v14, v17, _ =	vpop (xrf1);
	(xrf1) =	vsort.ascd.msk.f32 $0xffff, v9, v5  }
0xf9: {  	v3 =	vsel vm0, v10, v3;
	vm1 =	vlt.f32 v15, v2;
	v5, v9, _ =	vpop (xrf1);
	(xrf1) =	vsort.dscd.msk.f32 $0xffff, v11, v4;
	v4 =	vor.u32 s30, v0  }
0xfa: {  	v2 =	vsel vm1, v15, v2;
	v12 =	vsel vm1, v16, v12;
	vm1 =	vlt.f32 v5, v7;
	v10, v11, _ =	vpop (xrf1)  }
0xfb: {  	(xrf1) =	vsort.ascd.msk.f32 $0xffff, v2, v12;
	v2 =	vsel vm0, v13, v6;
	v5 =	vsel vm1, v5, v7;
	v6, v7, _ =	vpop (xrf1)  }
0xfc: {  	(xrf1) =	vsort.dscd.msk.f32 $0xffff, v1, v4;
	v1 =	vsel vm1, v9, v8;
	vm0 =	vlt.f32 v6, v14;
	v4, v8, _ =	vpop (xrf1)  }
0xfd: {  	(xrf1) =	vsort.dscd.msk.f32 $0xffff, v3, v2;
	v2 =	vsel vm0, v6, v14;
	v3 =	vsel vm0, v7, v17;
	v6, v7, _ =	vpop (xrf1)  }
0xfe: {  	s31 =	simm.s32 $0x9C0;
	(xrf1) =	vsort.ascd.msk.f32 $0xffff, v5, v1;
	v5, v9, _ =	vpop (xrf1)  }
0xff: {  	v1 =	vld [tilespmem:s31+$0xFFFFFFC0];
	vm0 =	vlt.f32 v5, v6  }
0x100: {  	(xrf1) =	vsort.dscd.msk.f32 $0xffff, v2, v3;
	v2 =	vld [tilespmem:s31+$0x20];
	v5 =	vsel vm0, v5, v6;
	v6 =	vsel vm0, v9, v7  }
0x101: {  	vm1 =	vlt.f32 v4, v10;
	v3 =	vld [tilespmem:s31+$0x30]  }
0x102: {  	s22 =	simm.s32 $0x180;
	v4 =	vsel vm1, v4, v10;
	v7 =	vsel vm1, v8, v11;
	v8 =	vld [tilespmem:s31+$0x0];
	v9, v10, _ =	vpop (xrf1);
	(xrf1) =	vsort.ascd.msk.f32 $0xffff, v5, v6  }
0x103: {  	s23 =	simm.s32 $0x1E0;
	s24 =	simm.s32 $0x1F0;
	v12 =	vld [tilespmem:s31+$0x10];
	v5 =	vor.u32 s22, v0;
	v6, v11, _ =	vpop (xrf1);
	(xrf1) =	vsort.dscd.msk.f32 $0xffff, v4, v7  }
0x104: {  	v16 =	vor.u32 s24, v0;
	v4 =	vld [tilespmem:s31+$0xFFFFFFE0];
	v7 =	vor.u32 s23, v0;
	v13, v14, _ =	vpop (xrf1);
	(xrf1) =	vsort.ascd.msk.f32 $0xffff, v1, v5  }
0x105: {  	s25 =	simm.s32 $0x1C0;
	(xrf1) =	vsort.ascd.msk.f32 $0xffff, v2, v7  }
0x106: {  	s26 =	simm.s32 $0x1D0;
	v5, v15, _ =	vpop (xrf1);
	v2 =	vor.u32 s25, v0;
	(xrf1) =	vsort.dscd.msk.f32 $0xffff, v3, v16  }
0x107: {  	v18 =	vor.u32 s26, v0;
	s28 =	simm.s32 $0x1A0;
	v1 =	vld [tilespmem:s31+$0xFFFFFFD0];
	v7, v17, _ =	vpop (xrf1);
	(xrf1) =	vsort.ascd.msk.f32 $0xffff, v8, v2  }
0x108: {  	v3, v16, _ =	vpop (xrf1);
	v8 =	vor.u32 s28, v0;
	vm1 =	vlt.f32 v7, v5;
	(xrf1) =	vsort.dscd.msk.f32 $0xffff, v12, v18  }
0x109: {  	s30 =	simm.s32 $0x1B0;
	v2 =	vld [tilespmem:s31+$0xFFFFFFF0];
	v19, v56, _ =	vpop (xrf1);
	(xrf1) =	vsort.ascd.msk.f32 $0xffff, v4, v8;
	v4 =	vsel vm1, v7, v5;
	v5 =	vsel vm1, v17, v15  }
0x10a: {  	s29 =	simm.s32 $0x190;
	vm0 =	vlt.f32 v13, v6;
	v8 =	vor.u32 s30, v0  }
0x10b: {  	v6 =	vsel vm0, v13, v6;
	v11 =	vsel vm0, v14, v11;
	v12 =	vor.u32 s29, v0;
	v13, v18, _ =	vpop (xrf1)  }
0x10c: {  	vm1 =	vlt.f32 v19, v9;
	(xrf1) =	vsort.dscd.msk.f32 $0xffff, v1, v12;
	v1, v7, _ =	vpop (xrf1)  }
0x10d: {  	v9 =	vsel vm1, v19, v9;
	(xrf1) =	vsort.ascd.msk.f32 $0xffff, v4, v5;
	v4, v5, _ =	vpop (xrf1)  }
0x10e: {  	v10 =	vsel vm1, v56, v10;
	vm0 =	vlt.f32 v1, v3;
	(xrf1) =	vsort.dscd.msk.f32 $0xffff, v2, v8;
	v2, v8, _ =	vpop (xrf1)  }
0x10f: {  	v1 =	vsel vm0, v1, v3;
	v7 =	vsel vm0, v7, v16;
	(xrf1) =	vsort.dscd.msk.f32 $0xffff, v6, v11;
	v6, v11, _ =	vpop (xrf1)  }
0x110: {  	s31 =	simm.s32 $0xA40;
	vm1 =	vlt.f32 v4, v13;
	(xrf1) =	vsort.ascd.msk.f32 $0xffff, v9, v10;
	vm0 =	vlt.f32 v6, v2  }
0x111: {  	v3 =	vld [tilespmem:s31+$0xFFFFFFC0];
	(xrf1) =	vsort.dscd.msk.f32 $0xffff, v1, v7;
	v1 =	vsel vm0, v6, v2;
	v2 =	vsel vm0, v11, v8  }
0x112: {  	s22 =	simm.s32 $0x200;
	v12 =	vld [tilespmem:s31+$0x20];
	v5 =	vsel vm1, v5, v18  }
0x113: {  	v10 =	vor.u32 s22, v0;
	v4 =	vsel vm1, v4, v13  }
0x114: {  	s24 =	simm.s32 $0x270;
	s23 =	simm.s32 $0x260;
	v9 =	vld [tilespmem:s31+$0x30];
	v6, v7, _ =	vpop (xrf1);
	(xrf1) =	vsort.ascd.msk.f32 $0xffff, v1, v2  }
0x115: {  	v14 =	vor.u32 s23, v0;
	v16 =	vor.u32 s24, v0;
	v8 =	vld [tilespmem:s31+$0x0];
	(xrf1) =	vsort.dscd.msk.f32 $0xffff, v4, v5;
	v1, v2, _ =	vpop (xrf1)  }
0x116: {  	s25 =	simm.s32 $0x240;
	v11 =	vld [tilespmem:s31+$0x10];
	(xrf1) =	vsort.ascd.msk.f32 $0xffff, v3, v10;
	v4, v5, _ =	vpop (xrf1)  }
0x117: {  	v13 =	vld [tilespmem:s31+$0xFFFFFFE0];
	(xrf1) =	vsort.ascd.msk.f32 $0xffff, v12, v14;
	v12 =	vor.u32 s25, v0;
	v3, v10, _ =	vpop (xrf1)  }
0x118: {  	v15 =	vld [tilespmem:s31+$0xFFFFFFD0];
	v14, v17, _ =	vpop (xrf1)  }
0x119: {  	s26 =	simm.s32 $0x250;
	s28 =	simm.s32 $0x220;
	(xrf1) =	vsort.dscd.msk.f32 $0xffff, v9, v16;
	v9, v16, _ =	vpop (xrf1)  }
0x11a: {  	v18 =	vor.u32 s26, v0;
	(xrf1) =	vsort.ascd.msk.f32 $0xffff, v8, v12;
	v8 =	vor.u32 s28, v0;
	v12, v19, _ =	vpop (xrf1)  }
0x11b: {  	s29 =	simm.s32 $0x210;
	(xrf1) =	vsort.dscd.msk.f32 $0xffff, v11, v18;
	v11 =	vld [tilespmem:s31+$0xFFFFFFF0];
	vm1 =	vlt.f32 v12, v9  }
0x11c: {  	v18 =	vor.u32 s29, v0;
	v58, v57, _ =	vpop (xrf1);
	(xrf1) =	vsort.ascd.msk.f32 $0xffff, v13, v8;
	v9 =	vsel vm1, v12, v9;
	v12 =	vsel vm1, v19, v16  }
0x11d: {  	vm0 =	vlt.f32 v1, v6;
	v8, v13, _ =	vpop (xrf1);
	(xrf1) =	vsort.dscd.msk.f32 $0xffff, v15, v18  }
0x11e: {  	s30 =	simm.s32 $0x230;
	v1 =	vsel vm0, v1, v6;
	v2 =	vsel vm0, v2, v7;
	v6, v7, _ =	vpop (xrf1);
	(xrf1) =	vsort.ascd.msk.f32 $0xffff, v9, v12  }
0x11f: {  	vm0 =	vlt.f32 v14, v3;
	v9 =	vor.u32 s30, v0;
	v12, v15, _ =	vpop (xrf1);
	(xrf1) =	vsort.dscd.msk.f32 $0xffff, v1, v2  }
0x120: {  	v1 =	vsel vm0, v14, v3;
	v2 =	vsel vm0, v17, v10;
	(xrf1) =	vsort.dscd.msk.f32 $0xffff, v11, v9  }
0x121: {  	vm0 =	vlt.f32 v8, v4;
	v3, v10, _ =	vpop (xrf1);
	(xrf1) =	vsort.dscd.msk.f32 $0xffff, v1, v2  }
0x122: {  	s31 =	simm.s32 $0xAC0;
	v9, v11, _ =	vpop (xrf1);
	v1 =	vsel vm0, v8, v4;
	v2 =	vsel vm0, v13, v5;
	vm0 =	vlt.f32 v12, v58  }
0x123: {  	vm1 =	vlt.f32 v3, v6;
	v4, v5, _ =	vpop (xrf1);
	v8 =	vsel vm0, v12, v58;
	v12 =	vld [tilespmem:s31+$0xFFFFFFC0]  }
0x124: {  	(xrf1) =	vsort.ascd.msk.f32 $0xffff, v1, v2;
	v1 =	vsel vm0, v15, v57;
	v2 =	vld [tilespmem:s31+$0x20];
	v13, v14, _ =	vpop (xrf1);
	vm0 =	vlt.f32 v4, v9  }
0x125: {  	v17 =	vld [tilespmem:s31+$0x30];
	(xrf1) =	vsort.dscd.msk.f32 $0xffff, v8, v1;
	v15, v16, _ =	vpop (xrf1);
	v1 =	vsel vm0, v4, v9;
	v4 =	vsel vm0, v5, v11  }
0x126: {  	s23 =	simm.s32 $0x280;
	v3 =	vsel vm1, v3, v6;
	v5 =	vsel vm1, v10, v7;
	v18, v19, _ =	vpop (xrf1);
	(xrf1) =	vsort.ascd.msk.f32 $0xffff, v1, v4  }
0x127: {  	s24 =	simm.s32 $0x2E0;
	v6 =	vld [tilespmem:s31+$0x0];
	v1 =	vor.u32 s23, v0;
	v7, v8, _ =	vpop (xrf1);
	(xrf1) =	vsort.dscd.msk.f32 $0xffff, v3, v5  }
0x128: {  	s25 =	simm.s32 $0x2F0;
	v9 =	vld [tilespmem:s31+$0x10];
	v3 =	vor.u32 s24, v0;
	v4, v10, _ =	vpop (xrf1);
	(xrf1) =	vsort.ascd.msk.f32 $0xffff, v12, v1  }
0x129: {  	s28 =	simm.s32 $0x2D0;
	v5 =	vld [tilespmem:s31+$0xFFFFFFE0];
	v1 =	vor.u32 s25, v0;
	v11, v12, _ =	vpop (xrf1);
	(xrf1) =	vsort.ascd.msk.f32 $0xffff, v2, v3  }
0x12a: {  	s26 =	simm.s32 $0x2C0;
	v59 =	vld [tilespmem:s31+$0xFFFFFFD0];
	vm0 =	vlt.f32 v15, v13;
	v61, v60, _ =	vpop (xrf1);
	(xrf1) =	vsort.dscd.msk.f32 $0xffff, v17, v1;
	v1 =	vor.u32 s28, v0  }
0x12b: {  	v13 =	vsel vm0, v15, v13;
	v2 =	vor.u32 s26, v0;
	vm1 =	vlt.f32 v4, v7  }
0x12c: {  	s29 =	simm.s32 $0x2A0;
	v14 =	vsel vm0, v16, v14;
	v3 =	vsel vm1, v4, v7;
	v17, v62, _ =	vpop (xrf1);
	(xrf1) =	vsort.ascd.msk.f32 $0xffff, v6, v2  }
0x12d: {  	s30 =	simm.s32 $0x290;
	v4 =	vsel vm1, v10, v8;
	v8 =	vor.u32 s29, v0;
	vm0 =	vlt.f32 v61, v11;
	v6, v7, _ =	vpop (xrf1);
	(xrf1) =	vsort.dscd.msk.f32 $0xffff, v9, v1  }
0x12e: {  	v9 =	vor.u32 s30, v0;
	v2, v1, _ =	vpop (xrf1);
	(xrf1) =	vsort.ascd.msk.f32 $0xffff, v5, v8;
	v8 =	vsel vm0, v61, v11  }
0x12f: {  	v63 =	vld [tilespmem:s31+$0xFFFFFFF0];
	s31 =	simm.s32 $0x2B0;
	v12 =	vsel vm0, v60, v12;
	vm1 =	vlt.f32 v6, v18;
	v11, v10, _ =	vpop (xrf1);
	(xrf1) =	vsort.dscd.msk.f32 $0xffff, v59, v9  }
0x130: {  	v5 =	vsel vm1, v6, v18;
	v16, v18, _ =	vpop (xrf1);
	(xrf1) =	vsort.ascd.msk.f32 $0xffff, v8, v12;
	v12 =	vor.u32 s31, v0;
	_ =	sdelay $0x1  }
0x131: {  	v6 =	vsel vm1, v7, v19;
	vm1 =	vlt.f32 v16, v17;
	v9, v8, _ =	vpop (xrf1);
	(xrf1) =	vsort.dscd.msk.f32 $0xffff, v13, v14  }
0x132: {  	v15 =	vimm.f32 $+Inf;
	v7 =	vsel vm1, v16, v17;
	v14 =	vsel vm1, v18, v62  }
0x133: {  	s21 =	simm.s32 $0xB40;
	s20 =	simm.s32 $0x370;
	v16 =	vimm.s32 $0x0;
	vm1 =	vlt.f32 v11, v15;
	vm0 =	vlt.f32 v9, v2;
	(xrf1) =	vsort.dscd.msk.f32 $0xffff, v63, v12;
	v13, v12, _ =	vpop (xrf1)  }
.LBB2_5:
0x134: {  	v17 =	vld [tilespmem:s21+$0xFFFFFFC0];
	p0 =	sne.s32 s20, $0x7F0;
	(xrf1) =	vsort.dscd.msk.f32 $0xffff, v3, v4;
	v3, v4, _ =	vpop (xrf1);
	v11 =	vsel vm1, v11, v15;
	v10 =	vsel vm1, v10, v16;
	s22 =	smov.u32 s20;
	s20 =	sadd.s32 $0x80, s20  }
0x135: {  	v2 =	vsel vm0, v9, v2;
	v1 =	vsel vm0, v8, v1;
	v15 =	vld [tilespmem:s21+$0x20];
	v8, v9, _ =	vpop (xrf1);
	(xrf1) =	vsort.ascd.msk.f32 $0xffff, v11, v10  }
0x136: {  	vm0 =	vlt.f32 v3, v13;
	v10 =	vld [tilespmem:s21+$0x30];
	(xrf1) =	vsort.ascd.msk.f32 $0xffff, v5, v6;
	v5, v6, _ =	vpop (xrf1)  }
0x137: {  	s23 =	sadd.s32 $0xFFFFFF90, s22;
	v3 =	vsel vm0, v3, v13;
	v23 =	vsel vm0, v4, v12;
	v11 =	vld [tilespmem:s21+$0x0];
	v16, v18, _ =	vpop (xrf1);
	(xrf1) =	vsort.dscd.msk.f32 $0xffff, v7, v14  }
0x138: {  	s24 =	sadd.s32 $0xFFFFFFD0, s22;
	s25 =	sadd.s32 $0xFFFFFFF0, s22;
	v25 =	vor.u32 s23, v0;
	s23 =	sadd.s32 $0xFFFFFFA0, s22;
	vm0 =	vlt.f32 v5, v8;
	v12 =	vld [tilespmem:s21+$0xFFFFFFE0];
	v13, v14, _ =	vpop (xrf1);
	(xrf1) =	vsort.ascd.msk.f32 $0xffff, v3, v23  }
0x139: {  	v20 =	vor.u32 s24, v0;
	v19 =	vor.u32 s23, v0;
	s23 =	sadd.s32 $0xFFFFFFB0, s22;
	v3 =	vor.u32 s25, v0;
	v21 =	vld [tilespmem:s21+$0x10];
	v4, v22, _ =	vpop (xrf1);
	(xrf1) =	vsort.dscd.msk.f32 $0xffff, v2, v1  }
0x13a: {  	v24 =	vor.u32 s23, v0;
	s23 =	sadd.s32 $0xFFFFFFC0, s22;
	v23 =	vld [tilespmem:s21+$0xFFFFFFD0];
	(xrf1) =	vsort.ascd.msk.f32 $0xffff, v17, v25;
	vm1 =	vlt.f32 v4, v13;
	v7, v17, _ =	vpop (xrf1);
	v25 =	vsel vm0, v5, v8  }
0x13b: {  	v27 =	vor.u32 s22, v0;
	v26 =	vor.u32 s23, v0;
	(xrf1) =	vsort.ascd.msk.f32 $0xffff, v15, v3;
	v3 =	vsel vm1, v4, v13;
	v5, v8, _ =	vpop (xrf1)  }
0x13c: {  	s22 =	sadd.s32 $0xFFFFFFE0, s22;
	v4 =	vsel vm1, v22, v14;
	v15 =	vsel vm0, v6, v9;
	(xrf1) =	vsort.dscd.msk.f32 $0xffff, v10, v27;
	v13, v14, _ =	vpop (xrf1)  }
0x13d: {  	v22 =	vor.u32 s22, v0;
	(xrf1) =	vsort.ascd.msk.f32 $0xffff, v11, v20;
	v6, v9, _ =	vpop (xrf1)  }
0x13e: {  	vm1 =	vlt.f32 v5, v7;
	(xrf1) =	vsort.dscd.msk.f32 $0xffff, v21, v22;
	vm0 =	vlt.f32 v6, v16;
	v2, v1, _ =	vpop (xrf1)  }
0x13f: {  	v7 =	vsel vm1, v5, v7;
	v21 =	vsel vm1, v8, v17;
	v20 =	vld [tilespmem:s21+$0xFFFFFFF0];
	(xrf1) =	vsort.ascd.msk.f32 $0xffff, v12, v24;
	v11, v10, _ =	vpop (xrf1)  }
.Ltmp1:
0x140: {  	v5 =	vsel vm0, v6, v16;
	v6 =	vsel vm0, v9, v18;
	(xrf1) =	vsort.dscd.msk.f32 $0xffff, v23, v19;
	(pc) =	sbr.rel @p0 .LBB2_5-.Ltmp1, $4  }
0x141: {  	v12, v17, _ =	vpop (xrf1);
	(xrf1) =	vsort.ascd.msk.f32 $0xffff, v7, v21  }
0x142: {  	vm1 =	vlt.f32 v12, v13;
	v9, v8, _ =	vpop (xrf1);
	(xrf1) =	vsort.dscd.msk.f32 $0xffff, v25, v15  }
0x143: {  	v7 =	vsel vm1, v12, v13;
	vm0 =	vlt.f32 v9, v2;
	v15, v16, _ =	vpop (xrf1)  }
0x144: {  	s21 =	sadd.s32 $0x80, s21;
	v14 =	vsel vm1, v17, v14;
	(xrf1) =	vsort.dscd.msk.f32 $0xffff, v20, v26;
	v13, v12, _ =	vpop (xrf1);
	vm1 =	vlt.f32 v11, v15  }
0x145: {  	(xrf1) =	vsort.dscd.msk.f32 $0xffff, v3, v4;
	v3 =	vsel vm1, v11, v15  }
0x146: {  	v31 =	vsel vm1, v10, v16  }
0x147: {  	v33, v32, _ =	vpop (xrf1);
	(xrf1) =	vsort.ascd.msk.f32 $0xffff, v3, v31  }
0x148: {  	v3, v4, _ =	vpop (xrf1)  }
0x149: {  	v34, v35, _ =	vpop (xrf1)  }
0x14a: {  	v17, v18, _ =	vpop (xrf1)  }
0x14b: {  	v19, v20, _ =	vpop (xrf1)  }
0x14c: {  	v21, v22, _ =	vpop (xrf1)  }
0x14d: {  	v23, v24, _ =	vpop (xrf1)  }
0x14e: {  	v2 =	vsel vm0, v9, v2;
	vm10 =	vlt.f32 v33, v13;
	v25, v26, _ =	vpop (xrf1)  }
0x14f: {  	v1 =	vsel vm0, v8, v1;
	v36 =	vsel vm10, v33, v13;
	(xrf1) =	vsort.ascd.msk.f32 $0xffff, v5, v6;
	v5, v6, _ =	vpop (xrf1)  }
0x150: {  	v37 =	vsel vm10, v32, v12;
	(xrf1) =	vsort.dscd.msk.f32 $0xffff, v7, v14;
	vm12 =	vlt.f32 v34, v3;
	v11, v12, _ =	vpop (xrf1)  }
0x151: {  	(xrf1) =	vsort.ascd.msk.f32 $0xffff, v36, v37;
	v4 =	vsel vm12, v35, v4;
	v39, v38, _ =	vpop (xrf1)  }
0x152: {  	(xrf1) =	vsort.dscd.msk.f32 $0xffff, v2, v1;
	v3 =	vsel vm12, v34, v3;
	vm11 =	vlt.f32 v25, v23;
	v1, v2, _ =	vpop (xrf1)  }
0x153: {  	v40 =	vsel vm11, v25, v23;
	v41 =	vsel vm11, v26, v24;
	v43, v42, _ =	vpop (xrf1)  }
0x154: {  	(xrf1) =	vsort.ascd.msk.f32 $0xffff, v40, v41;
	v9, v10, _ =	vpop (xrf1)  }
0x155: {  	vm13 =	vlt.f32 v21, v19;
	(xrf1) =	vsort.dscd.msk.f32 $0xffff, v3, v4;
	v3, v4, _ =	vpop (xrf1)  }
0x156: {  	v44 =	vsel vm13, v21, v19;
	v45 =	vsel vm13, v22, v20;
	vm14 =	vlt.f32 v1, v3  }
0x157: {  	(xrf1) =	vsort.dscd.msk.f32 $0xffff, v44, v45;
	v1 =	vsel vm14, v1, v3;
	v2 =	vsel vm14, v2, v4  }
0x158: {  	(xrf1) =	vsort.ascd.msk.f32 $0xffff, v1, v2;
	_ =	sdelay $0x5  }
0x159: {  	vm15 =	vlt.f32 v11, v17;
	v1, v2, _ =	vpop (xrf1)  }
0x15a: {  	v12 =	vsel vm15, v12, v18;
	vm4 =	vlt.f32 v43, v5;
	v3, v46, _ =	vpop (xrf1)  }
0x15b: {  	v11 =	vsel vm15, v11, v17;
	v5 =	vsel vm4, v43, v5;
	vm6 =	vlt.f32 v3, v1  }
0x15c: {  	v6 =	vsel vm4, v42, v6;
	(xrf1) =	vsort.ascd.msk.f32 $0xffff, v11, v12;
	v15, v16, _ =	vpop (xrf1);
	v2 =	vsel vm6, v46, v2  }
0x15d: {  	(xrf1) =	vsort.dscd.msk.f32 $0xffff, v5, v6;
	v47, v48, _ =	vpop (xrf1);
	v1 =	vsel vm6, v3, v1  }
0x15e: {  	v11, v12, _ =	vpop (xrf1)  }
0x15f: {  	v3, v49, _ =	vpop (xrf1)  }
0x160: {  	vm5 =	vlt.f32 v9, v39;
	(xrf1) =	vsort.ascd.msk.f32 $0xffff, v1, v2;
	vm7 =	vlt.f32 v47, v15;
	v1, v2, _ =	vpop (xrf1)  }
0x161: {  	v50 =	vsel vm5, v9, v39;
	v51 =	vsel vm5, v10, v38;
	v52 =	vsel vm7, v47, v15;
	v5, v6, _ =	vpop (xrf1)  }
0x162: {  	v53 =	vsel vm7, v48, v16;
	(xrf1) =	vsort.dscd.msk.f32 $0xffff, v50, v51;
	vm8 =	vlt.f32 v3, v5  }
0x163: {  	(xrf1) =	vsort.dscd.msk.f32 $0xffff, v52, v53;
	v3 =	vsel vm8, v3, v5;
	v4 =	vsel vm8, v49, v6  }
0x164: {  	(xrf1) =	vsort.ascd.msk.f32 $0xffff, v3, v4;
	_ =	sdelay $0x5  }
0x165: {  	v3, v4, _ =	vpop (xrf1)  }
0x166: {  	v54, v55, _ =	vpop (xrf1)  }
0x167: {  	vm9 =	vlt.f32 v54, v3  }
0x168: {  	vm10 =	vlt.f32 v1, v11;
	v4 =	vsel vm9, v55, v4  }
0x169: {  	v2 =	vsel vm10, v2, v12;
	v3 =	vsel vm9, v54, v3  }
0x16a: {  	v1 =	vsel vm10, v1, v11;
	v7, v8, _ =	vpop (xrf1)  }
0x16b: {  	v56, v57, _ =	vpop (xrf1)  }
0x16c: {  	(xrf1) =	vsort.ascd.msk.f32 $0xffff, v3, v4;
	v3, v4, _ =	vpop (xrf1)  }
0x16d: {  	vm11 =	vlt.f32 v56, v7;
	(xrf1) =	vsort.dscd.msk.f32 $0xffff, v1, v2;
	v1, v2, _ =	vpop (xrf1)  }
0x16e: {  	v58 =	vsel vm11, v56, v7;
	v59 =	vsel vm11, v57, v8;
	vm12 =	vlt.f32 v3, v1  }
0x16f: {  	(xrf1) =	vsort.dscd.msk.f32 $0xffff, v58, v59;
	v1 =	vsel vm12, v3, v1;
	v2 =	vsel vm12, v4, v2  }
0x170: {  	(xrf1) =	vsort.ascd.msk.f32 $0xffff, v1, v2;
	_ =	sdelay $0xa  }
0x171: {  	v1, v2, _ =	vpop (xrf1)  }
0x172: {  	v3, v60, _ =	vpop (xrf1)  }
0x173: {  	v5, v6, _ =	vpop (xrf1)  }
0x174: {  	vm13 =	vlt.f32 v3, v1;
	v61, v62, _ =	vpop (xrf1)  }
0x175: {  	v1 =	vsel vm13, v3, v1;
	v2 =	vsel vm13, v60, v2;
	vm14 =	vlt.f32 v5, v61  }
0x176: {  	(xrf1) =	vsort.dscd.msk.f32 $0xffff, v1, v2;
	v1 =	vsel vm14, v5, v61;
	v2 =	vsel vm14, v6, v62  }
0x177: {  	(xrf1) =	vsort.ascd.msk.f32 $0xffff, v1, v2;
	_ =	sdelay $0xc  }
0x178: {  	v1, v2, _ =	vpop (xrf1)  }
0x179: {  	v3, v63, _ =	vpop (xrf1)  }
0x17a: {  	vm15 =	vlt.f32 v1, v3  }
0x17b: {  	v1 =	vsel vm15, v1, v3;
	v2 =	vsel vm15, v2, v63  }
0x17c: {  	(xrf1) =	vsort.ascd.msk.f32 $0xffff, v1, v2;
	_ =	sdelay $0xd  }
0x17d: {  	s19 =	sshll.u32 s19, $0x1;
	v1, v2, _ =	vpop (xrf1)  }
0x17e: {  	s19 =	sand.u32 $0x1FFFFFFE, s19;
	[tilespmem:$0x1000] =	vst v2  }
0x17f: {  	s20 =	sadd.s32 s1, s19;
	[tilespmem:$0x1080] =	vst v1  }
0x180: {  	[hbm4b:s20+s3] =	stream.linear.scatter [tilespmem:s13], [sflag:$0x3], $0x10, $0x38;
	[tilespmem:$0x1100] =	vst v63  }
0x181: {  	s18 =	sadd.s32 $0x1, s18;
	_ =	swait.ge [sflag:s14], $0x10  }
0x182: {  	p0 =	sne.s32 s18, $0x20;
	[sflag:s14] =	ssyncset.done $0x0  }
.Ltmp2:
0x183: {  	s19 =	sadd.s32 s6, s19;
	[sflag:s14] =	ssyncadd.s32 $0xFFFFFFF0;
	(pc) =	sbr.rel @p0 .LBB2_2-.Ltmp2, $4  }
0x184: {  	[hbm4b:s19+s3] =	stream.linear.scatter [tilespmem:s15], [sflag:$0x3], $0x10, $0x38;
	[tilespmem:$0x1100] =	vst v63  }
0x185: {  	_ =	swait.ge [sflag:s14], $0x10  }
0x186: {  	[sflag:s14] =	ssyncset.done $0x0  }
0x187: {  	[sflag:s14] =	ssyncadd.s32 $0xFFFFFFF0  }
0x188: {  	s17 =	sadd.s32 $0x1, s17  }
0x189: {  	p0 =	sne.s32 s17, s8  }
.Ltmp3:
0x18a: {  	_ = 	snop;
	(pc) =	sbr.rel @p0 .LBB2_1-.Ltmp3, $4  }
0x18b: {  	_ = 	snop  }
0x18c: {  	_ =	swait.ge [sflag:s12], $0x800  }
0x18d: {  	[sflag:s12] =	ssyncset.done $0x0  }
0x18e: {  	[sflag:s12] =	ssyncadd.s32 $0xFFFFF800  }
0x18f: {  	_ =	sfence.sel $0x180000  }
0x190: {  	[bflag:$0x0] =	sbarrier.arrive $0xFFFF  }
0x191: {  	p0 =	sne.s32 s2, $0x0;
	_ =	strace $0x90000047  }
0x192: {  	s0 =	sadd.s32 @!p0 $0x100000, s0;
	[bflag:$0x2] =	sbarrier.arrive $0xFFFF  }
0x193: {  	[sflag:s0] =	ssyncadd.tile.s32 @!p0 $0x1;
	_ =	shalt  }
.Lfunc_end2:
_tile_overlayer_lowered:
.L_overlay_start_2:
0x194: {  	(tag) =	ssettag $0x2  }
0x195: {  	s0 =	rddreg [dreg:$0x0];
	s2 =	stileid.u32  }
0x196: {  	s1 =	rddreg [dreg:$0x1];
	p0 =	sne.s32 s2, $0x0  }
0x197: {  	s3 =	rddreg [dreg:$0x2];
	[bflag:$0x3] =	sbarrier.arrive $0xFFFF;
	s2 =	simm.s32 @!p0 $0x1C03  }
0x198: {  	[timem:s3], [sflag:s2] =	dma.local @!p0 [hbm:s0], s1  }
0x199: {  	s0 =	simm.s32 @!p0 $0x3  }
0x19a: {  	_ =	swait.ge @!p0 [sflag:s0], s1  }
0x19b: {  	s1 =	ssub.s32 @!p0 $0x0, s1;
	[sflag:s0] =	ssyncset.done @!p0 $0x0  }
0x19c: {  	[sflag:s0] =	ssyncadd.s32 @!p0 s1  }
0x19d: {  	[bflag:$0x3] =	sbarrier.arrive $0xFFFF  }
0x19e: {  	_ =	shalt  }

</sc_bundles>
